<compile_context>
chip_gen: v7x
topology: tpu7x:2x2x1
jax: 0.10.2.dev20260603
libtpu: 0.0.44.dev20260713+nightly
codegen_flags: <defaults>
</compile_context>

<pallas_src>
import jax
import jax.numpy as jnp
from jax import lax
from jax.experimental import pallas as pl
from jax.experimental.pallas import tpu as pltpu
from jax.experimental.pallas import tpu_sc as plsc

NC = 2
NS = 16
L = 16

B = 8
R = 2048
D = 512
N = R * D
NBINS = 4096
WPB = (NC * NS) // B
ROWS_W = R // WPB
CR = 32
C = CR * D
NCHUNK = ROWS_W // CR
UNROLL = 8
GPR = D // L


def _sc_body(src_hbm, lab_hbm, out_hbm,
             sum_v, cnt_v, mean_v, red_s, red_c,
             lab0, lab1, dat0, dat1, shared_s, shared_c,
             lsem0, lsem1, ssem0, ssem1):
    c = lax.axis_index("c")
    s = lax.axis_index("s")
    batch = c * (NS // WPB) + s // WPB
    quarter = s % WPB
    row_base = quarter * ROWS_W

    bufs = ((lab0, dat0, lsem0, ssem0), (lab1, dat1, lsem1, ssem1))
    zeros = jnp.zeros((L,), jnp.float32)
    ones = jnp.ones((L,), jnp.float32)

    def chunk_rows(i):
        return pl.ds(pl.multiple_of(row_base + i * CR, CR), CR)

    def zbody(i, _):
        for u in range(UNROLL):
            ds = pl.ds(i * (L * UNROLL) + u * L, L)
            sum_v[ds] = zeros
            cnt_v[ds] = zeros
        return _
    lax.fori_loop(0, NBINS // (L * UNROLL), zbody, None)

    pltpu.async_copy(lab_hbm.at[batch, chunk_rows(0)], lab0, lsem0)
    pltpu.async_copy(src_hbm.at[batch, chunk_rows(0)], dat0, lsem0)
    pltpu.async_copy(lab_hbm.at[batch, chunk_rows(1)], lab1, lsem1)
    pltpu.async_copy(src_hbm.at[batch, chunk_rows(1)], dat1, lsem1)

    def chunk_pair1(g, _):
        for b, (labv, datv, lsem, _ssem) in enumerate(bufs):
            cur = g * 2 + b
            pltpu.make_async_copy(lab_hbm.at[batch, chunk_rows(0)], labv, lsem).wait()
            pltpu.make_async_copy(src_hbm.at[batch, chunk_rows(0)], datv, lsem).wait()

            def inner(j, _):
                r = j // (GPR // UNROLL)
                q = (j % (GPR // UNROLL)) * (L * UNROLL)
                labs = [labv[r, pl.ds(q + u * L, L)] for u in range(UNROLL)]
                xs = [datv[r, pl.ds(q + u * L, L)] for u in range(UNROLL)]
                for u in range(UNROLL):
                    plsc.addupdate_scatter(sum_v, [labs[u]], xs[u])
                    plsc.addupdate_scatter(cnt_v, [labs[u]], ones)
                return _
            lax.fori_loop(0, C // (L * UNROLL), inner, None)

            nxt = cur + 2

            @pl.when(nxt < NCHUNK)
            def _start_next():
                pltpu.async_copy(lab_hbm.at[batch, chunk_rows(nxt)], labv, lsem)
                pltpu.async_copy(src_hbm.at[batch, chunk_rows(nxt)], datv, lsem)
        return _
    lax.fori_loop(0, NCHUNK // 2, chunk_pair1, None)

    pltpu.sync_copy(sum_v, shared_s.at[s])
    pltpu.sync_copy(cnt_v, shared_c.at[s])
    plsc.subcore_barrier()
    row0 = (s // WPB) * WPB
    pltpu.sync_copy(shared_s.at[pl.ds(row0, WPB)], red_s)
    pltpu.sync_copy(shared_c.at[pl.ds(row0, WPB)], red_c)

    def mbody(i, _):
        for u in range(UNROLL):
            ds = pl.ds(i * (L * UNROLL) + u * L, L)
            ssum = red_s[0, ds] + red_s[1, ds] + red_s[2, ds] + red_s[3, ds]
            scnt = red_c[0, ds] + red_c[1, ds] + red_c[2, ds] + red_c[3, ds]
            mean_v[ds] = ssum / scnt
        return _
    lax.fori_loop(0, NBINS // (L * UNROLL), mbody, None)

    pltpu.async_copy(lab_hbm.at[batch, chunk_rows(0)], lab0, lsem0)
    pltpu.async_copy(lab_hbm.at[batch, chunk_rows(1)], lab1, lsem1)

    def chunk_pair2(g, _):
        for b, (labv, datv, lsem, ssem) in enumerate(bufs):
            cur = g * 2 + b
            pltpu.make_async_copy(lab_hbm.at[batch, chunk_rows(0)], labv, lsem).wait()

            @pl.when(cur >= 2)
            def _drain_store():
                pltpu.make_async_copy(datv, out_hbm.at[batch, chunk_rows(0)], ssem).wait()

            def inner(j, _):
                r = j // (GPR // UNROLL)
                q = (j % (GPR // UNROLL)) * (L * UNROLL)
                labs = [labv[r, pl.ds(q + u * L, L)] for u in range(UNROLL)]
                gs = [plsc.load_gather(mean_v, [labs[u]])
                      for u in range(UNROLL)]
                for u in range(UNROLL):
                    datv[r, pl.ds(q + u * L, L)] = gs[u]
                return _
            lax.fori_loop(0, C // (L * UNROLL), inner, None)

            pltpu.async_copy(datv, out_hbm.at[batch, chunk_rows(cur)], ssem)

            nxt = cur + 2

            @pl.when(nxt < NCHUNK)
            def _start_next():
                pltpu.async_copy(lab_hbm.at[batch, chunk_rows(nxt)], labv, lsem)
        return _
    lax.fori_loop(0, NCHUNK // 2, chunk_pair2, None)

    pltpu.make_async_copy(dat0, out_hbm.at[batch, chunk_rows(0)], ssem0).wait()
    pltpu.make_async_copy(dat1, out_hbm.at[batch, chunk_rows(0)], ssem1).wait()


@jax.jit
def kernel(src, labels):
    labels = labels.astype(jnp.int32)
    mesh = plsc.VectorSubcoreMesh(
        core_axis_name="c", subcore_axis_name="s",
        num_cores=NC, num_subcores=NS)
    out = pl.kernel(
        _sc_body,
        out_type=jax.ShapeDtypeStruct((B, R, D), jnp.float32),
        mesh=mesh,
        compiler_params=pltpu.CompilerParams(needs_layout_passes=False),
        scratch_types=[
            pltpu.VMEM((NBINS,), jnp.float32),
            pltpu.VMEM((NBINS,), jnp.float32),
            pltpu.VMEM((NBINS,), jnp.float32),
            pltpu.VMEM((WPB, NBINS), jnp.float32),
            pltpu.VMEM((WPB, NBINS), jnp.float32),
            pltpu.VMEM((CR, D), jnp.int32),
            pltpu.VMEM((CR, D), jnp.int32),
            pltpu.VMEM((CR, D), jnp.float32),
            pltpu.VMEM((CR, D), jnp.float32),
            pltpu.VMEM_SHARED((NS, NBINS), jnp.float32),
            pltpu.VMEM_SHARED((NS, NBINS), jnp.float32),
            pltpu.SemaphoreType.DMA,
            pltpu.SemaphoreType.DMA,
            pltpu.SemaphoreType.DMA,
            pltpu.SemaphoreType.DMA,
        ],
    )(src, labels)
    return out

# --- scband reference (transcript-rebuilt; emitter-appended) ---
"""Pipeline reference for scband-sppool-mean-91010357002793 (READ-ONLY COPY).

The authoritative reference and input builder live on the scoring server;
editing this copy changes nothing except your own understanding.
"""

import jax, jax.numpy as jnp
import numpy as np


def setup_inputs(seed: int = 0) -> dict:
    key = jax.random.key(seed)
    k1, k2 = jax.random.split(key)
    src = jax.random.normal(k1, (8, 2048, 512), dtype=jnp.float32)
    labels = jax.random.randint(k2, (8, 2048, 512), 0, 4096, dtype=jnp.int64 if jax.config.jax_enable_x64 else jnp.int32).astype(jnp.int32)
    return {"src": src, "labels": labels}


def reference(src, labels):
    # flat_shape = src.shape[:-2] + [-1]
    lead = src.shape[:-2]
    flat_len = src.shape[-2] * src.shape[-1]
    flat_src = src.reshape(lead + (flat_len,))
    flat_lab = labels.reshape(lead + (flat_len,))
    b = flat_src.shape[0]
    batch_idx = jnp.arange(b)[:, None]
    # pooled = scatter_add of src by labels along last dim
    pooled = jnp.zeros_like(flat_src).at[batch_idx, flat_lab].add(flat_src)
    # norm = scatter_add of ones by labels along last dim
    norm = jnp.zeros_like(flat_src).at[batch_idx, flat_lab].add(jnp.ones_like(flat_src))
    pooled = pooled / norm
    # gather back per-element mean of its segment
    out = jnp.take_along_axis(pooled, flat_lab, axis=-1).reshape(src.shape)
    return out

if __name__ == "__main__":
    import jax
    _d = setup_inputs()
    print(jax.jit(kernel)(*tuple(_d.values())))

</pallas_src>

<mosaic_0001>
#map = affine_map<(d0, d1) -> (0, 0, 0)>
module attributes {stable_mosaic.version = 14 : i64} {
  func.func @_sc_body(%arg0: i32, %arg1: i32, %arg2: memref<8x2048x512xf32, #tpu.memory_space<hbm>>, %arg3: memref<8x2048x512xi32, #tpu.memory_space<hbm>>, %arg4: memref<8x2048x512xf32, #tpu.memory_space<hbm>>, %arg5: memref<4096xf32, #tpu.memory_space<vmem>>, %arg6: memref<4096xf32, #tpu.memory_space<vmem>>, %arg7: memref<4096xf32, #tpu.memory_space<vmem>>, %arg8: memref<4x4096xf32, #tpu.memory_space<vmem>>, %arg9: memref<4x4096xf32, #tpu.memory_space<vmem>>, %arg10: memref<32x512xi32, #tpu.memory_space<vmem>>, %arg11: memref<32x512xi32, #tpu.memory_space<vmem>>, %arg12: memref<32x512xf32, #tpu.memory_space<vmem>>, %arg13: memref<32x512xf32, #tpu.memory_space<vmem>>, %arg14: memref<16x4096xf32, #tpu.memory_space<vmem_shared>>, %arg15: memref<16x4096xf32, #tpu.memory_space<vmem_shared>>, %arg16: memref<!tpu.dma_semaphore, #tpu.memory_space<semaphore_mem>>, %arg17: memref<!tpu.dma_semaphore, #tpu.memory_space<semaphore_mem>>, %arg18: memref<!tpu.dma_semaphore, #tpu.memory_space<semaphore_mem>>, %arg19: memref<!tpu.dma_semaphore, #tpu.memory_space<semaphore_mem>>) attributes {dimension_semantics = [#tpu.dimension_semantics<core_parallel>, #tpu.dimension_semantics<subcore_parallel>], iteration_bounds = array<i64: 2, 16>, scalar_prefetch = 0 : i64, scratch_operands = 15 : i64, tpu.core_type = #tpu.core_type<sc_vector_subcore>, window_params = [{transform_indices = #map}, {transform_indices = #map}, {transform_indices = #map}]} {
    %mul3A = arith.constant 4 : i32
    %mul3A_0 = arith.muli %arg0, %mul3A : i32
    %jit3A = arith.constant 4 : i32
    %div3A = arith.divsi %arg1, %jit3A : i32
    %sign3A = arith.constant 0 : i32
    %sign3A_1 = arith.cmpi sgt, %arg1, %sign3A : i32
    %sign3A_2 = arith.extui %sign3A_1 : i1 to i32
    %sign3A_3 = arith.constant 0 : i32
    %sign3A_4 = arith.cmpi slt, %arg1, %sign3A_3 : i32
    %sign3A_5 = arith.extui %sign3A_4 : i1 to i32
    %sign3A_6 = arith.subi %sign3A_2, %sign3A_5 : i32
    %sign3A_7 = arith.constant 0 : i32
    %sign3A_8 = arith.cmpi sgt, %jit3A, %sign3A_7 : i32
    %sign3A_9 = arith.extui %sign3A_8 : i1 to i32
    %sign3A_10 = arith.constant 0 : i32
    %sign3A_11 = arith.cmpi slt, %jit3A, %sign3A_10 : i32
    %sign3A_12 = arith.extui %sign3A_11 : i1 to i32
    %sign3A_13 = arith.subi %sign3A_9, %sign3A_12 : i32
    %ne3A = arith.cmpi ne, %sign3A_6, %sign3A_13 : i32
    %rem3A = arith.remsi %arg1, %jit3A : i32
    %ne3A_14 = arith.constant 0 : i32
    %ne3A_15 = arith.cmpi ne, %rem3A, %ne3A_14 : i32
    %and3A = arith.andi %ne3A, %ne3A_15 : i1
    %sub3A = arith.constant 1 : i32
    %sub3A_16 = arith.subi %div3A, %sub3A : i32
    %select_n3A = arith.select %and3A, %sub3A_16, %div3A : i32
    %add3A = arith.addi %mul3A_0, %select_n3A : i32
    %jit3A_17 = arith.constant 4 : i32
    %eq3A = arith.constant 0 : i32
    %eq3A_18 = arith.cmpi eq, %jit3A_17, %eq3A : i32
    %jit3A_19 = arith.constant 1 : i32
    %select_n3A_20 = arith.select %eq3A_18, %jit3A_19, %jit3A_17 : i32
    %rem3A_21 = arith.remsi %arg1, %select_n3A_20 : i32
    %ne3A_22 = arith.constant 0 : i32
    %ne3A_23 = arith.cmpi ne, %rem3A_21, %ne3A_22 : i32
    %lt3A = arith.constant 0 : i32
    %lt3A_24 = arith.cmpi slt, %rem3A_21, %lt3A : i32
    %lt3A_25 = arith.constant 0 : i32
    %lt3A_26 = arith.cmpi slt, %select_n3A_20, %lt3A_25 : i32
    %ne3A_27 = arith.xori %lt3A_24, %lt3A_26 : i1
    %and3A_28 = arith.andi %ne3A_27, %ne3A_23 : i1
    %add3A_29 = arith.addi %rem3A_21, %select_n3A_20 : i32
    %select_n3A_30 = arith.select %and3A_28, %add3A_29, %rem3A_21 : i32
    %mul3A_31 = arith.constant 512 : i32
    %mul3A_32 = arith.muli %select_n3A_30, %mul3A_31 : i32
    %broadcast_in_dim3A = arith.constant 0.000000e+00 : f32
    %broadcast_in_dim3A_33 = vector.broadcast %broadcast_in_dim3A : f32 to vector<16xf32>
    %broadcast_in_dim3A_34 = arith.constant 1.000000e+00 : f32
    %broadcast_in_dim3A_35 = vector.broadcast %broadcast_in_dim3A_34 : f32 to vector<16xf32>
    %scan3A = arith.constant 0 : i32
    %scan3A_36 = arith.constant 32 : i32
    %scan3A_37 = arith.addi %scan3A, %scan3A_36 : i32
    %scan3A_38 = arith.constant 1 : i32
    scf.for %scan3A_150 = %scan3A to %scan3A_37 step %scan3A_38  : i32 {
      %mul3A_151 = arith.constant 128 : i32
      %mul3A_152 = arith.muli %scan3A_150, %mul3A_151 : i32
      %add3A_153 = arith.constant 0 : i32
      %add3A_154 = arith.addi %mul3A_152, %add3A_153 : i32
      %swap3A = arith.index_cast %add3A_154 : i32 to index
      %swap3A_155 = tpu.vector_load %arg5[%swap3A] {strides = array<i32>} : memref<4096xf32, #tpu.memory_space<vmem>>, vector<16xf32>,
      tpu.vector_store %arg5[%swap3A], %broadcast_in_dim3A_33 {strides = array<i32>} : memref<4096xf32, #tpu.memory_space<vmem>>, vector<16xf32>,
      %swap3A_156 = arith.index_cast %add3A_154 : i32 to index
      %swap3A_157 = tpu.vector_load %arg6[%swap3A_156] {strides = array<i32>} : memref<4096xf32, #tpu.memory_space<vmem>>, vector<16xf32>,
      tpu.vector_store %arg6[%swap3A_156], %broadcast_in_dim3A_33 {strides = array<i32>} : memref<4096xf32, #tpu.memory_space<vmem>>, vector<16xf32>,
      %mul3A_158 = arith.constant 128 : i32
      %mul3A_159 = arith.muli %scan3A_150, %mul3A_158 : i32
      %add3A_160 = arith.constant 16 : i32
      %add3A_161 = arith.addi %mul3A_159, %add3A_160 : i32
      %swap3A_162 = arith.index_cast %add3A_161 : i32 to index
      %swap3A_163 = tpu.vector_load %arg5[%swap3A_162] {strides = array<i32>} : memref<4096xf32, #tpu.memory_space<vmem>>, vector<16xf32>,
      tpu.vector_store %arg5[%swap3A_162], %broadcast_in_dim3A_33 {strides = array<i32>} : memref<4096xf32, #tpu.memory_space<vmem>>, vector<16xf32>,
      %swap3A_164 = arith.index_cast %add3A_161 : i32 to index
      %swap3A_165 = tpu.vector_load %arg6[%swap3A_164] {strides = array<i32>} : memref<4096xf32, #tpu.memory_space<vmem>>, vector<16xf32>,
      tpu.vector_store %arg6[%swap3A_164], %broadcast_in_dim3A_33 {strides = array<i32>} : memref<4096xf32, #tpu.memory_space<vmem>>, vector<16xf32>,
      %mul3A_166 = arith.constant 128 : i32
      %mul3A_167 = arith.muli %scan3A_150, %mul3A_166 : i32
      %add3A_168 = arith.constant 32 : i32
      %add3A_169 = arith.addi %mul3A_167, %add3A_168 : i32
      %swap3A_170 = arith.index_cast %add3A_169 : i32 to index
      %swap3A_171 = tpu.vector_load %arg5[%swap3A_170] {strides = array<i32>} : memref<4096xf32, #tpu.memory_space<vmem>>, vector<16xf32>,
      tpu.vector_store %arg5[%swap3A_170], %broadcast_in_dim3A_33 {strides = array<i32>} : memref<4096xf32, #tpu.memory_space<vmem>>, vector<16xf32>,
      %swap3A_172 = arith.index_cast %add3A_169 : i32 to index
      %swap3A_173 = tpu.vector_load %arg6[%swap3A_172] {strides = array<i32>} : memref<4096xf32, #tpu.memory_space<vmem>>, vector<16xf32>,
      tpu.vector_store %arg6[%swap3A_172], %broadcast_in_dim3A_33 {strides = array<i32>} : memref<4096xf32, #tpu.memory_space<vmem>>, vector<16xf32>,
      %mul3A_174 = arith.constant 128 : i32
      %mul3A_175 = arith.muli %scan3A_150, %mul3A_174 : i32
      %add3A_176 = arith.constant 48 : i32
      %add3A_177 = arith.addi %mul3A_175, %add3A_176 : i32
      %swap3A_178 = arith.index_cast %add3A_177 : i32 to index
      %swap3A_179 = tpu.vector_load %arg5[%swap3A_178] {strides = array<i32>} : memref<4096xf32, #tpu.memory_space<vmem>>, vector<16xf32>,
      tpu.vector_store %arg5[%swap3A_178], %broadcast_in_dim3A_33 {strides = array<i32>} : memref<4096xf32, #tpu.memory_space<vmem>>, vector<16xf32>,
      %swap3A_180 = arith.index_cast %add3A_177 : i32 to index
      %swap3A_181 = tpu.vector_load %arg6[%swap3A_180] {strides = array<i32>} : memref<4096xf32, #tpu.memory_space<vmem>>, vector<16xf32>,
      tpu.vector_store %arg6[%swap3A_180], %broadcast_in_dim3A_33 {strides = array<i32>} : memref<4096xf32, #tpu.memory_space<vmem>>, vector<16xf32>,
      %mul3A_182 = arith.constant 128 : i32
      %mul3A_183 = arith.muli %scan3A_150, %mul3A_182 : i32
      %add3A_184 = arith.constant 64 : i32
      %add3A_185 = arith.addi %mul3A_183, %add3A_184 : i32
      %swap3A_186 = arith.index_cast %add3A_185 : i32 to index
      %swap3A_187 = tpu.vector_load %arg5[%swap3A_186] {strides = array<i32>} : memref<4096xf32, #tpu.memory_space<vmem>>, vector<16xf32>,
      tpu.vector_store %arg5[%swap3A_186], %broadcast_in_dim3A_33 {strides = array<i32>} : memref<4096xf32, #tpu.memory_space<vmem>>, vector<16xf32>,
      %swap3A_188 = arith.index_cast %add3A_185 : i32 to index
      %swap3A_189 = tpu.vector_load %arg6[%swap3A_188] {strides = array<i32>} : memref<4096xf32, #tpu.memory_space<vmem>>, vector<16xf32>,
      tpu.vector_store %arg6[%swap3A_188], %broadcast_in_dim3A_33 {strides = array<i32>} : memref<4096xf32, #tpu.memory_space<vmem>>, vector<16xf32>,
      %mul3A_190 = arith.constant 128 : i32
      %mul3A_191 = arith.muli %scan3A_150, %mul3A_190 : i32
      %add3A_192 = arith.constant 80 : i32
      %add3A_193 = arith.addi %mul3A_191, %add3A_192 : i32
      %swap3A_194 = arith.index_cast %add3A_193 : i32 to index
      %swap3A_195 = tpu.vector_load %arg5[%swap3A_194] {strides = array<i32>} : memref<4096xf32, #tpu.memory_space<vmem>>, vector<16xf32>,
      tpu.vector_store %arg5[%swap3A_194], %broadcast_in_dim3A_33 {strides = array<i32>} : memref<4096xf32, #tpu.memory_space<vmem>>, vector<16xf32>,
      %swap3A_196 = arith.index_cast %add3A_193 : i32 to index
      %swap3A_197 = tpu.vector_load %arg6[%swap3A_196] {strides = array<i32>} : memref<4096xf32, #tpu.memory_space<vmem>>, vector<16xf32>,
      tpu.vector_store %arg6[%swap3A_196], %broadcast_in_dim3A_33 {strides = array<i32>} : memref<4096xf32, #tpu.memory_space<vmem>>, vector<16xf32>,
      %mul3A_198 = arith.constant 128 : i32
      %mul3A_199 = arith.muli %scan3A_150, %mul3A_198 : i32
      %add3A_200 = arith.constant 96 : i32
      %add3A_201 = arith.addi %mul3A_199, %add3A_200 : i32
      %swap3A_202 = arith.index_cast %add3A_201 : i32 to index
      %swap3A_203 = tpu.vector_load %arg5[%swap3A_202] {strides = array<i32>} : memref<4096xf32, #tpu.memory_space<vmem>>, vector<16xf32>,
      tpu.vector_store %arg5[%swap3A_202], %broadcast_in_dim3A_33 {strides = array<i32>} : memref<4096xf32, #tpu.memory_space<vmem>>, vector<16xf32>,
      %swap3A_204 = arith.index_cast %add3A_201 : i32 to index
      %swap3A_205 = tpu.vector_load %arg6[%swap3A_204] {strides = array<i32>} : memref<4096xf32, #tpu.memory_space<vmem>>, vector<16xf32>,
      tpu.vector_store %arg6[%swap3A_204], %broadcast_in_dim3A_33 {strides = array<i32>} : memref<4096xf32, #tpu.memory_space<vmem>>, vector<16xf32>,
      %mul3A_206 = arith.constant 128 : i32
      %mul3A_207 = arith.muli %scan3A_150, %mul3A_206 : i32
      %add3A_208 = arith.constant 112 : i32
      %add3A_209 = arith.addi %mul3A_207, %add3A_208 : i32
      %swap3A_210 = arith.index_cast %add3A_209 : i32 to index
      %swap3A_211 = tpu.vector_load %arg5[%swap3A_210] {strides = array<i32>} : memref<4096xf32, #tpu.memory_space<vmem>>, vector<16xf32>,
      tpu.vector_store %arg5[%swap3A_210], %broadcast_in_dim3A_33 {strides = array<i32>} : memref<4096xf32, #tpu.memory_space<vmem>>, vector<16xf32>,
      %swap3A_212 = arith.index_cast %add3A_209 : i32 to index
      %swap3A_213 = tpu.vector_load %arg6[%swap3A_212] {strides = array<i32>} : memref<4096xf32, #tpu.memory_space<vmem>>, vector<16xf32>,
      tpu.vector_store %arg6[%swap3A_212], %broadcast_in_dim3A_33 {strides = array<i32>} : memref<4096xf32, #tpu.memory_space<vmem>>, vector<16xf32>,
    }
    %scan3A_39 = arith.constant 32 : i32
    %add3A_40 = arith.constant 0 : i32
    %add3A_41 = arith.addi %mul3A_32, %add3A_40 : i32
    %multiple_of3A = tpu.assume_multiple %add3A_41, 32 : i32
    %dma_start3A = arith.constant 0 : i32
    %dma_start3A_42 = tpu.memref_slice %arg3[%add3A, %multiple_of3A, %dma_start3A] : memref<8x2048x512xi32, #tpu.memory_space<hbm>> -> memref<1x32x512xi32, #tpu.memory_space<hbm>>
    %dma_start3A_43 = tpu.memref_squeeze %dma_start3A_42 : memref<1x32x512xi32, #tpu.memory_space<hbm>> -> memref<32x512xi32, #tpu.memory_space<hbm>>
    %dma_start3A_44 = arith.constant 0 : i32
    %dma_start3A_45 = tpu.memref_slice %arg3[%add3A, %multiple_of3A, %dma_start3A_44] : memref<8x2048x512xi32, #tpu.memory_space<hbm>> -> memref<1x32x512xi32, #tpu.memory_space<hbm>>
    %dma_start3A_46 = tpu.memref_squeeze %dma_start3A_45 : memref<1x32x512xi32, #tpu.memory_space<hbm>> -> memref<32x512xi32, #tpu.memory_space<hbm>>
    tpu.enqueue_dma source(%dma_start3A_46 : memref<32x512xi32, #tpu.memory_space<hbm>>) target(%arg10 : memref<32x512xi32, #tpu.memory_space<vmem>>) target_semaphore(%arg16 : memref<!tpu.dma_semaphore, #tpu.memory_space<semaphore_mem>>)
    %add3A_47 = arith.constant 0 : i32
    %add3A_48 = arith.addi %mul3A_32, %add3A_47 : i32
    %multiple_of3A_49 = tpu.assume_multiple %add3A_48, 32 : i32
    %dma_start3A_50 = arith.constant 0 : i32
    %dma_start3A_51 = tpu.memref_slice %arg2[%add3A, %multiple_of3A_49, %dma_start3A_50] : memref<8x2048x512xf32, #tpu.memory_space<hbm>> -> memref<1x32x512xf32, #tpu.memory_space<hbm>>
    %dma_start3A_52 = tpu.memref_squeeze %dma_start3A_51 : memref<1x32x512xf32, #tpu.memory_space<hbm>> -> memref<32x512xf32, #tpu.memory_space<hbm>>
    %dma_start3A_53 = arith.constant 0 : i32
    %dma_start3A_54 = tpu.memref_slice %arg2[%add3A, %multiple_of3A_49, %dma_start3A_53] : memref<8x2048x512xf32, #tpu.memory_space<hbm>> -> memref<1x32x512xf32, #tpu.memory_space<hbm>>
    %dma_start3A_55 = tpu.memref_squeeze %dma_start3A_54 : memref<1x32x512xf32, #tpu.memory_space<hbm>> -> memref<32x512xf32, #tpu.memory_space<hbm>>
    tpu.enqueue_dma source(%dma_start3A_55 : memref<32x512xf32, #tpu.memory_space<hbm>>) target(%arg12 : memref<32x512xf32, #tpu.memory_space<vmem>>) target_semaphore(%arg16 : memref<!tpu.dma_semaphore, #tpu.memory_space<semaphore_mem>>)
    %add3A_56 = arith.constant 32 : i32
    %add3A_57 = arith.addi %mul3A_32, %add3A_56 : i32
    %multiple_of3A_58 = tpu.assume_multiple %add3A_57, 32 : i32
    %dma_start3A_59 = arith.constant 0 : i32
    %dma_start3A_60 = tpu.memref_slice %arg3[%add3A, %multiple_of3A_58, %dma_start3A_59] : memref<8x2048x512xi32, #tpu.memory_space<hbm>> -> memref<1x32x512xi32, #tpu.memory_space<hbm>>
    %dma_start3A_61 = tpu.memref_squeeze %dma_start3A_60 : memref<1x32x512xi32, #tpu.memory_space<hbm>> -> memref<32x512xi32, #tpu.memory_space<hbm>>
    %dma_start3A_62 = arith.constant 0 : i32
    %dma_start3A_63 = tpu.memref_slice %arg3[%add3A, %multiple_of3A_58, %dma_start3A_62] : memref<8x2048x512xi32, #tpu.memory_space<hbm>> -> memref<1x32x512xi32, #tpu.memory_space<hbm>>
    %dma_start3A_64 = tpu.memref_squeeze %dma_start3A_63 : memref<1x32x512xi32, #tpu.memory_space<hbm>> -> memref<32x512xi32, #tpu.memory_space<hbm>>
    tpu.enqueue_dma source(%dma_start3A_64 : memref<32x512xi32, #tpu.memory_space<hbm>>) target(%arg11 : memref<32x512xi32, #tpu.memory_space<vmem>>) target_semaphore(%arg17 : memref<!tpu.dma_semaphore, #tpu.memory_space<semaphore_mem>>)
    %add3A_65 = arith.constant 32 : i32
    %add3A_66 = arith.addi %mul3A_32, %add3A_65 : i32
    %multiple_of3A_67 = tpu.assume_multiple %add3A_66, 32 : i32
    %dma_start3A_68 = arith.constant 0 : i32
    %dma_start3A_69 = tpu.memref_slice %arg2[%add3A, %multiple_of3A_67, %dma_start3A_68] : memref<8x2048x512xf32, #tpu.memory_space<hbm>> -> memref<1x32x512xf32, #tpu.memory_space<hbm>>
    %dma_start3A_70 = tpu.memref_squeeze %dma_start3A_69 : memref<1x32x512xf32, #tpu.memory_space<hbm>> -> memref<32x512xf32, #tpu.memory_space<hbm>>
    %dma_start3A_71 = arith.constant 0 : i32
    %dma_start3A_72 = tpu.memref_slice %arg2[%add3A, %multiple_of3A_67, %dma_start3A_71] : memref<8x2048x512xf32, #tpu.memory_space<hbm>> -> memref<1x32x512xf32, #tpu.memory_space<hbm>>
    %dma_start3A_73 = tpu.memref_squeeze %dma_start3A_72 : memref<1x32x512xf32, #tpu.memory_space<hbm>> -> memref<32x512xf32, #tpu.memory_space<hbm>>
    tpu.enqueue_dma source(%dma_start3A_73 : memref<32x512xf32, #tpu.memory_space<hbm>>) target(%arg13 : memref<32x512xf32, #tpu.memory_space<vmem>>) target_semaphore(%arg17 : memref<!tpu.dma_semaphore, #tpu.memory_space<semaphore_mem>>)
    %scan3A_74 = arith.constant 0 : i32
    %scan3A_75 = arith.constant 8 : i32
    %scan3A_76 = arith.addi %scan3A_74, %scan3A_75 : i32
    %scan3A_77 = arith.constant 1 : i32
    scf.for %scan3A_150 = %scan3A_74 to %scan3A_76 step %scan3A_77  : i32 {
      %mul3A_151 = arith.constant 2 : i32
      %mul3A_152 = arith.muli %scan3A_150, %mul3A_151 : i32
      %add3A_153 = arith.constant 0 : i32
      %add3A_154 = arith.addi %mul3A_152, %add3A_153 : i32
      %add3A_155 = arith.constant 0 : i32
      %add3A_156 = arith.addi %mul3A_32, %add3A_155 : i32
      %multiple_of3A_157 = tpu.assume_multiple %add3A_156, 32 : i32
      %dma_wait3A_158 = arith.constant 0 : i32
      %dma_wait3A_159 = tpu.memref_slice %arg3[%add3A, %multiple_of3A_157, %dma_wait3A_158] : memref<8x2048x512xi32, #tpu.memory_space<hbm>> -> memref<1x32x512xi32, #tpu.memory_space<hbm>>
      %dma_wait3A_160 = tpu.memref_squeeze %dma_wait3A_159 : memref<1x32x512xi32, #tpu.memory_space<hbm>> -> memref<32x512xi32, #tpu.memory_space<hbm>>
      %dma_wait3A_161 = arith.constant 0 : i32
      %dma_wait3A_162 = tpu.memref_slice %arg3[%add3A, %multiple_of3A_157, %dma_wait3A_161] : memref<8x2048x512xi32, #tpu.memory_space<hbm>> -> memref<1x32x512xi32, #tpu.memory_space<hbm>>
      %dma_wait3A_163 = tpu.memref_squeeze %dma_wait3A_162 : memref<1x32x512xi32, #tpu.memory_space<hbm>> -> memref<32x512xi32, #tpu.memory_space<hbm>>
      tpu.wait_dma2 semaphore(%arg16 : memref<!tpu.dma_semaphore, #tpu.memory_space<semaphore_mem>>) src(%dma_wait3A_163 : memref<32x512xi32, #tpu.memory_space<hbm>>) dst(%arg10 : memref<32x512xi32, #tpu.memory_space<vmem>>)
      %add3A_164 = arith.constant 0 : i32
      %add3A_165 = arith.addi %mul3A_32, %add3A_164 : i32
      %multiple_of3A_166 = tpu.assume_multiple %add3A_165, 32 : i32
      %dma_wait3A_167 = arith.constant 0 : i32
      %dma_wait3A_168 = tpu.memref_slice %arg2[%add3A, %multiple_of3A_166, %dma_wait3A_167] : memref<8x2048x512xf32, #tpu.memory_space<hbm>> -> memref<1x32x512xf32, #tpu.memory_space<hbm>>
      %dma_wait3A_169 = tpu.memref_squeeze %dma_wait3A_168 : memref<1x32x512xf32, #tpu.memory_space<hbm>> -> memref<32x512xf32, #tpu.memory_space<hbm>>
      %dma_wait3A_170 = arith.constant 0 : i32
      %dma_wait3A_171 = tpu.memref_slice %arg2[%add3A, %multiple_of3A_166, %dma_wait3A_170] : memref<8x2048x512xf32, #tpu.memory_space<hbm>> -> memref<1x32x512xf32, #tpu.memory_space<hbm>>
      %dma_wait3A_172 = tpu.memref_squeeze %dma_wait3A_171 : memref<1x32x512xf32, #tpu.memory_space<hbm>> -> memref<32x512xf32, #tpu.memory_space<hbm>>
      tpu.wait_dma2 semaphore(%arg16 : memref<!tpu.dma_semaphore, #tpu.memory_space<semaphore_mem>>) src(%dma_wait3A_172 : memref<32x512xf32, #tpu.memory_space<hbm>>) dst(%arg12 : memref<32x512xf32, #tpu.memory_space<vmem>>)
      %scan3A_173 = arith.constant 0 : i32
      %scan3A_174 = arith.constant 128 : i32
      %scan3A_175 = arith.addi %scan3A_173, %scan3A_174 : i32
      %scan3A_176 = arith.constant 1 : i32
      scf.for %scan3A_217 = %scan3A_173 to %scan3A_175 step %scan3A_176  : i32 {
        %jit3A_218 = arith.constant 4 : i32
        %div3A_219 = arith.divsi %scan3A_217, %jit3A_218 : i32
        %sign3A_220 = arith.constant 0 : i32
        %sign3A_221 = arith.cmpi sgt, %scan3A_217, %sign3A_220 : i32
        %sign3A_222 = arith.extui %sign3A_221 : i1 to i32
        %sign3A_223 = arith.constant 0 : i32
        %sign3A_224 = arith.cmpi slt, %scan3A_217, %sign3A_223 : i32
        %sign3A_225 = arith.extui %sign3A_224 : i1 to i32
        %sign3A_226 = arith.subi %sign3A_222, %sign3A_225 : i32
        %sign3A_227 = arith.constant 0 : i32
        %sign3A_228 = arith.cmpi sgt, %jit3A_218, %sign3A_227 : i32
        %sign3A_229 = arith.extui %sign3A_228 : i1 to i32
        %sign3A_230 = arith.constant 0 : i32
        %sign3A_231 = arith.cmpi slt, %jit3A_218, %sign3A_230 : i32
        %sign3A_232 = arith.extui %sign3A_231 : i1 to i32
        %sign3A_233 = arith.subi %sign3A_229, %sign3A_232 : i32
        %ne3A_234 = arith.cmpi ne, %sign3A_226, %sign3A_233 : i32
        %rem3A_235 = arith.remsi %scan3A_217, %jit3A_218 : i32
        %ne3A_236 = arith.constant 0 : i32
        %ne3A_237 = arith.cmpi ne, %rem3A_235, %ne3A_236 : i32
        %and3A_238 = arith.andi %ne3A_234, %ne3A_237 : i1
        %sub3A_239 = arith.constant 1 : i32
        %sub3A_240 = arith.subi %div3A_219, %sub3A_239 : i32
        %select_n3A_241 = arith.select %and3A_238, %sub3A_240, %div3A_219 : i32
        %jit3A_242 = arith.constant 4 : i32
        %eq3A_243 = arith.constant 0 : i32
        %eq3A_244 = arith.cmpi eq, %jit3A_242, %eq3A_243 : i32
        %jit3A_245 = arith.constant 1 : i32
        %select_n3A_246 = arith.select %eq3A_244, %jit3A_245, %jit3A_242 : i32
        %rem3A_247 = arith.remsi %scan3A_217, %select_n3A_246 : i32
        %ne3A_248 = arith.constant 0 : i32
        %ne3A_249 = arith.cmpi ne, %rem3A_247, %ne3A_248 : i32
        %lt3A_250 = arith.constant 0 : i32
        %lt3A_251 = arith.cmpi slt, %rem3A_247, %lt3A_250 : i32
        %lt3A_252 = arith.constant 0 : i32
        %lt3A_253 = arith.cmpi slt, %select_n3A_246, %lt3A_252 : i32
        %ne3A_254 = arith.xori %lt3A_251, %lt3A_253 : i1
        %and3A_255 = arith.andi %ne3A_254, %ne3A_249 : i1
        %add3A_256 = arith.addi %rem3A_247, %select_n3A_246 : i32
        %select_n3A_257 = arith.select %and3A_255, %add3A_256, %rem3A_247 : i32
        %mul3A_258 = arith.constant 128 : i32
        %mul3A_259 = arith.muli %select_n3A_257, %mul3A_258 : i32
        %add3A_260 = arith.constant 0 : i32
        %add3A_261 = arith.addi %mul3A_259, %add3A_260 : i32
        %get3A = arith.index_cast %select_n3A_241 : i32 to index
        %get3A_262 = arith.index_cast %add3A_261 : i32 to index
        %get3A_263 = tpu.vector_load %arg10[%get3A, %get3A_262] {strides = array<i32>} : memref<32x512xi32, #tpu.memory_space<vmem>>, vector<16xi32>,
        %add3A_264 = arith.constant 16 : i32
        %add3A_265 = arith.addi %mul3A_259, %add3A_264 : i32
        %get3A_266 = arith.index_cast %select_n3A_241 : i32 to index
        %get3A_267 = arith.index_cast %add3A_265 : i32 to index
        %get3A_268 = tpu.vector_load %arg10[%get3A_266, %get3A_267] {strides = array<i32>} : memref<32x512xi32, #tpu.memory_space<vmem>>, vector<16xi32>,
        %add3A_269 = arith.constant 32 : i32
        %add3A_270 = arith.addi %mul3A_259, %add3A_269 : i32
        %get3A_271 = arith.index_cast %select_n3A_241 : i32 to index
        %get3A_272 = arith.index_cast %add3A_270 : i32 to index
        %get3A_273 = tpu.vector_load %arg10[%get3A_271, %get3A_272] {strides = array<i32>} : memref<32x512xi32, #tpu.memory_space<vmem>>, vector<16xi32>,
        %add3A_274 = arith.constant 48 : i32
        %add3A_275 = arith.addi %mul3A_259, %add3A_274 : i32
        %get3A_276 = arith.index_cast %select_n3A_241 : i32 to index
        %get3A_277 = arith.index_cast %add3A_275 : i32 to index
        %get3A_278 = tpu.vector_load %arg10[%get3A_276, %get3A_277] {strides = array<i32>} : memref<32x512xi32, #tpu.memory_space<vmem>>, vector<16xi32>,
        %add3A_279 = arith.constant 64 : i32
        %add3A_280 = arith.addi %mul3A_259, %add3A_279 : i32
        %get3A_281 = arith.index_cast %select_n3A_241 : i32 to index
        %get3A_282 = arith.index_cast %add3A_280 : i32 to index
        %get3A_283 = tpu.vector_load %arg10[%get3A_281, %get3A_282] {strides = array<i32>} : memref<32x512xi32, #tpu.memory_space<vmem>>, vector<16xi32>,
        %add3A_284 = arith.constant 80 : i32
        %add3A_285 = arith.addi %mul3A_259, %add3A_284 : i32
        %get3A_286 = arith.index_cast %select_n3A_241 : i32 to index
        %get3A_287 = arith.index_cast %add3A_285 : i32 to index
        %get3A_288 = tpu.vector_load %arg10[%get3A_286, %get3A_287] {strides = array<i32>} : memref<32x512xi32, #tpu.memory_space<vmem>>, vector<16xi32>,
        %add3A_289 = arith.constant 96 : i32
        %add3A_290 = arith.addi %mul3A_259, %add3A_289 : i32
        %get3A_291 = arith.index_cast %select_n3A_241 : i32 to index
        %get3A_292 = arith.index_cast %add3A_290 : i32 to index
        %get3A_293 = tpu.vector_load %arg10[%get3A_291, %get3A_292] {strides = array<i32>} : memref<32x512xi32, #tpu.memory_space<vmem>>, vector<16xi32>,
        %add3A_294 = arith.constant 112 : i32
        %add3A_295 = arith.addi %mul3A_259, %add3A_294 : i32
        %get3A_296 = arith.index_cast %select_n3A_241 : i32 to index
        %get3A_297 = arith.index_cast %add3A_295 : i32 to index
        %get3A_298 = tpu.vector_load %arg10[%get3A_296, %get3A_297] {strides = array<i32>} : memref<32x512xi32, #tpu.memory_space<vmem>>, vector<16xi32>,
        %add3A_299 = arith.constant 0 : i32
        %add3A_300 = arith.addi %mul3A_259, %add3A_299 : i32
        %get3A_301 = arith.index_cast %select_n3A_241 : i32 to index
        %get3A_302 = arith.index_cast %add3A_300 : i32 to index
        %get3A_303 = tpu.vector_load %arg12[%get3A_301, %get3A_302] {strides = array<i32>} : memref<32x512xf32, #tpu.memory_space<vmem>>, vector<16xf32>,
        %add3A_304 = arith.constant 16 : i32
        %add3A_305 = arith.addi %mul3A_259, %add3A_304 : i32
        %get3A_306 = arith.index_cast %select_n3A_241 : i32 to index
        %get3A_307 = arith.index_cast %add3A_305 : i32 to index
        %get3A_308 = tpu.vector_load %arg12[%get3A_306, %get3A_307] {strides = array<i32>} : memref<32x512xf32, #tpu.memory_space<vmem>>, vector<16xf32>,
        %add3A_309 = arith.constant 32 : i32
        %add3A_310 = arith.addi %mul3A_259, %add3A_309 : i32
        %get3A_311 = arith.index_cast %select_n3A_241 : i32 to index
        %get3A_312 = arith.index_cast %add3A_310 : i32 to index
        %get3A_313 = tpu.vector_load %arg12[%get3A_311, %get3A_312] {strides = array<i32>} : memref<32x512xf32, #tpu.memory_space<vmem>>, vector<16xf32>,
        %add3A_314 = arith.constant 48 : i32
        %add3A_315 = arith.addi %mul3A_259, %add3A_314 : i32
        %get3A_316 = arith.index_cast %select_n3A_241 : i32 to index
        %get3A_317 = arith.index_cast %add3A_315 : i32 to index
        %get3A_318 = tpu.vector_load %arg12[%get3A_316, %get3A_317] {strides = array<i32>} : memref<32x512xf32, #tpu.memory_space<vmem>>, vector<16xf32>,
        %add3A_319 = arith.constant 64 : i32
        %add3A_320 = arith.addi %mul3A_259, %add3A_319 : i32
        %get3A_321 = arith.index_cast %select_n3A_241 : i32 to index
        %get3A_322 = arith.index_cast %add3A_320 : i32 to index
        %get3A_323 = tpu.vector_load %arg12[%get3A_321, %get3A_322] {strides = array<i32>} : memref<32x512xf32, #tpu.memory_space<vmem>>, vector<16xf32>,
        %add3A_324 = arith.constant 80 : i32
        %add3A_325 = arith.addi %mul3A_259, %add3A_324 : i32
        %get3A_326 = arith.index_cast %select_n3A_241 : i32 to index
        %get3A_327 = arith.index_cast %add3A_325 : i32 to index
        %get3A_328 = tpu.vector_load %arg12[%get3A_326, %get3A_327] {strides = array<i32>} : memref<32x512xf32, #tpu.memory_space<vmem>>, vector<16xf32>,
        %add3A_329 = arith.constant 96 : i32
        %add3A_330 = arith.addi %mul3A_259, %add3A_329 : i32
        %get3A_331 = arith.index_cast %select_n3A_241 : i32 to index
        %get3A_332 = arith.index_cast %add3A_330 : i32 to index
        %get3A_333 = tpu.vector_load %arg12[%get3A_331, %get3A_332] {strides = array<i32>} : memref<32x512xf32, #tpu.memory_space<vmem>>, vector<16xf32>,
        %add3A_334 = arith.constant 112 : i32
        %add3A_335 = arith.addi %mul3A_259, %add3A_334 : i32
        %get3A_336 = arith.index_cast %select_n3A_241 : i32 to index
        %get3A_337 = arith.index_cast %add3A_335 : i32 to index
        %get3A_338 = tpu.vector_load %arg12[%get3A_336, %get3A_337] {strides = array<i32>} : memref<32x512xf32, #tpu.memory_space<vmem>>, vector<16xf32>,
        tpu.vector_store_idx %arg5[%get3A_263], %get3A_303 {add = true} : memref<4096xf32, #tpu.memory_space<vmem>>[vector<16xi32>], vector<16xf32>,
        tpu.vector_store_idx %arg6[%get3A_263], %broadcast_in_dim3A_35 {add = true} : memref<4096xf32, #tpu.memory_space<vmem>>[vector<16xi32>], vector<16xf32>,
        tpu.vector_store_idx %arg5[%get3A_268], %get3A_308 {add = true} : memref<4096xf32, #tpu.memory_space<vmem>>[vector<16xi32>], vector<16xf32>,
        tpu.vector_store_idx %arg6[%get3A_268], %broadcast_in_dim3A_35 {add = true} : memref<4096xf32, #tpu.memory_space<vmem>>[vector<16xi32>], vector<16xf32>,
        tpu.vector_store_idx %arg5[%get3A_273], %get3A_313 {add = true} : memref<4096xf32, #tpu.memory_space<vmem>>[vector<16xi32>], vector<16xf32>,
        tpu.vector_store_idx %arg6[%get3A_273], %broadcast_in_dim3A_35 {add = true} : memref<4096xf32, #tpu.memory_space<vmem>>[vector<16xi32>], vector<16xf32>,
        tpu.vector_store_idx %arg5[%get3A_278], %get3A_318 {add = true} : memref<4096xf32, #tpu.memory_space<vmem>>[vector<16xi32>], vector<16xf32>,
        tpu.vector_store_idx %arg6[%get3A_278], %broadcast_in_dim3A_35 {add = true} : memref<4096xf32, #tpu.memory_space<vmem>>[vector<16xi32>], vector<16xf32>,
        tpu.vector_store_idx %arg5[%get3A_283], %get3A_323 {add = true} : memref<4096xf32, #tpu.memory_space<vmem>>[vector<16xi32>], vector<16xf32>,
        tpu.vector_store_idx %arg6[%get3A_283], %broadcast_in_dim3A_35 {add = true} : memref<4096xf32, #tpu.memory_space<vmem>>[vector<16xi32>], vector<16xf32>,
        tpu.vector_store_idx %arg5[%get3A_288], %get3A_328 {add = true} : memref<4096xf32, #tpu.memory_space<vmem>>[vector<16xi32>], vector<16xf32>,
        tpu.vector_store_idx %arg6[%get3A_288], %broadcast_in_dim3A_35 {add = true} : memref<4096xf32, #tpu.memory_space<vmem>>[vector<16xi32>], vector<16xf32>,
        tpu.vector_store_idx %arg5[%get3A_293], %get3A_333 {add = true} : memref<4096xf32, #tpu.memory_space<vmem>>[vector<16xi32>], vector<16xf32>,
        tpu.vector_store_idx %arg6[%get3A_293], %broadcast_in_dim3A_35 {add = true} : memref<4096xf32, #tpu.memory_space<vmem>>[vector<16xi32>], vector<16xf32>,
        tpu.vector_store_idx %arg5[%get3A_298], %get3A_338 {add = true} : memref<4096xf32, #tpu.memory_space<vmem>>[vector<16xi32>], vector<16xf32>,
        tpu.vector_store_idx %arg6[%get3A_298], %broadcast_in_dim3A_35 {add = true} : memref<4096xf32, #tpu.memory_space<vmem>>[vector<16xi32>], vector<16xf32>,
      }
      %scan3A_177 = arith.constant 128 : i32
      %add3A_178 = arith.constant 2 : i32
      %add3A_179 = arith.addi %add3A_154, %add3A_178 : i32
      %lt3A_180 = arith.constant 16 : i32
      %lt3A_181 = arith.cmpi slt, %add3A_179, %lt3A_180 : i32
      %convert_element_type3A = arith.extui %lt3A_181 : i1 to i32
      %cond3A = arith.constant 0 : i32
      %cond3A_182 = arith.cmpi ne, %convert_element_type3A, %cond3A : i32
      scf.if %cond3A_182 {
        %mul3A_217 = arith.constant 32 : i32
        %mul3A_218 = arith.muli %add3A_179, %mul3A_217 : i32
        %add3A_219 = arith.addi %mul3A_32, %mul3A_218 : i32
        %multiple_of3A_220 = tpu.assume_multiple %add3A_219, 32 : i32
        %dma_start3A_221 = arith.constant 0 : i32
        %dma_start3A_222 = tpu.memref_slice %arg3[%add3A, %multiple_of3A_220, %dma_start3A_221] : memref<8x2048x512xi32, #tpu.memory_space<hbm>> -> memref<1x32x512xi32, #tpu.memory_space<hbm>>
        %dma_start3A_223 = tpu.memref_squeeze %dma_start3A_222 : memref<1x32x512xi32, #tpu.memory_space<hbm>> -> memref<32x512xi32, #tpu.memory_space<hbm>>
        %dma_start3A_224 = arith.constant 0 : i32
        %dma_start3A_225 = tpu.memref_slice %arg3[%add3A, %multiple_of3A_220, %dma_start3A_224] : memref<8x2048x512xi32, #tpu.memory_space<hbm>> -> memref<1x32x512xi32, #tpu.memory_space<hbm>>
        %dma_start3A_226 = tpu.memref_squeeze %dma_start3A_225 : memref<1x32x512xi32, #tpu.memory_space<hbm>> -> memref<32x512xi32, #tpu.memory_space<hbm>>
        tpu.enqueue_dma source(%dma_start3A_226 : memref<32x512xi32, #tpu.memory_space<hbm>>) target(%arg10 : memref<32x512xi32, #tpu.memory_space<vmem>>) target_semaphore(%arg16 : memref<!tpu.dma_semaphore, #tpu.memory_space<semaphore_mem>>)
        %mul3A_227 = arith.constant 32 : i32
        %mul3A_228 = arith.muli %add3A_179, %mul3A_227 : i32
        %add3A_229 = arith.addi %mul3A_32, %mul3A_228 : i32
        %multiple_of3A_230 = tpu.assume_multiple %add3A_229, 32 : i32
        %dma_start3A_231 = arith.constant 0 : i32
        %dma_start3A_232 = tpu.memref_slice %arg2[%add3A, %multiple_of3A_230, %dma_start3A_231] : memref<8x2048x512xf32, #tpu.memory_space<hbm>> -> memref<1x32x512xf32, #tpu.memory_space<hbm>>
        %dma_start3A_233 = tpu.memref_squeeze %dma_start3A_232 : memref<1x32x512xf32, #tpu.memory_space<hbm>> -> memref<32x512xf32, #tpu.memory_space<hbm>>
        %dma_start3A_234 = arith.constant 0 : i32
        %dma_start3A_235 = tpu.memref_slice %arg2[%add3A, %multiple_of3A_230, %dma_start3A_234] : memref<8x2048x512xf32, #tpu.memory_space<hbm>> -> memref<1x32x512xf32, #tpu.memory_space<hbm>>
        %dma_start3A_236 = tpu.memref_squeeze %dma_start3A_235 : memref<1x32x512xf32, #tpu.memory_space<hbm>> -> memref<32x512xf32, #tpu.memory_space<hbm>>
        tpu.enqueue_dma source(%dma_start3A_236 : memref<32x512xf32, #tpu.memory_space<hbm>>) target(%arg12 : memref<32x512xf32, #tpu.memory_space<vmem>>) target_semaphore(%arg16 : memref<!tpu.dma_semaphore, #tpu.memory_space<semaphore_mem>>)
      } else {
      }
      %mul3A_183 = arith.constant 2 : i32
      %mul3A_184 = arith.muli %scan3A_150, %mul3A_183 : i32
      %add3A_185 = arith.constant 1 : i32
      %add3A_186 = arith.addi %mul3A_184, %add3A_185 : i32
      %add3A_187 = arith.constant 0 : i32
      %add3A_188 = arith.addi %mul3A_32, %add3A_187 : i32
      %multiple_of3A_189 = tpu.assume_multiple %add3A_188, 32 : i32
      %dma_wait3A_190 = arith.constant 0 : i32
      %dma_wait3A_191 = tpu.memref_slice %arg3[%add3A, %multiple_of3A_189, %dma_wait3A_190] : memref<8x2048x512xi32, #tpu.memory_space<hbm>> -> memref<1x32x512xi32, #tpu.memory_space<hbm>>
      %dma_wait3A_192 = tpu.memref_squeeze %dma_wait3A_191 : memref<1x32x512xi32, #tpu.memory_space<hbm>> -> memref<32x512xi32, #tpu.memory_space<hbm>>
      %dma_wait3A_193 = arith.constant 0 : i32
      %dma_wait3A_194 = tpu.memref_slice %arg3[%add3A, %multiple_of3A_189, %dma_wait3A_193] : memref<8x2048x512xi32, #tpu.memory_space<hbm>> -> memref<1x32x512xi32, #tpu.memory_space<hbm>>
      %dma_wait3A_195 = tpu.memref_squeeze %dma_wait3A_194 : memref<1x32x512xi32, #tpu.memory_space<hbm>> -> memref<32x512xi32, #tpu.memory_space<hbm>>
      tpu.wait_dma2 semaphore(%arg17 : memref<!tpu.dma_semaphore, #tpu.memory_space<semaphore_mem>>) src(%dma_wait3A_195 : memref<32x512xi32, #tpu.memory_space<hbm>>) dst(%arg11 : memref<32x512xi32, #tpu.memory_space<vmem>>)
      %add3A_196 = arith.constant 0 : i32
      %add3A_197 = arith.addi %mul3A_32, %add3A_196 : i32
      %multiple_of3A_198 = tpu.assume_multiple %add3A_197, 32 : i32
      %dma_wait3A_199 = arith.constant 0 : i32
      %dma_wait3A_200 = tpu.memref_slice %arg2[%add3A, %multiple_of3A_198, %dma_wait3A_199] : memref<8x2048x512xf32, #tpu.memory_space<hbm>> -> memref<1x32x512xf32, #tpu.memory_space<hbm>>
      %dma_wait3A_201 = tpu.memref_squeeze %dma_wait3A_200 : memref<1x32x512xf32, #tpu.memory_space<hbm>> -> memref<32x512xf32, #tpu.memory_space<hbm>>
      %dma_wait3A_202 = arith.constant 0 : i32
      %dma_wait3A_203 = tpu.memref_slice %arg2[%add3A, %multiple_of3A_198, %dma_wait3A_202] : memref<8x2048x512xf32, #tpu.memory_space<hbm>> -> memref<1x32x512xf32, #tpu.memory_space<hbm>>
      %dma_wait3A_204 = tpu.memref_squeeze %dma_wait3A_203 : memref<1x32x512xf32, #tpu.memory_space<hbm>> -> memref<32x512xf32, #tpu.memory_space<hbm>>
      tpu.wait_dma2 semaphore(%arg17 : memref<!tpu.dma_semaphore, #tpu.memory_space<semaphore_mem>>) src(%dma_wait3A_204 : memref<32x512xf32, #tpu.memory_space<hbm>>) dst(%arg13 : memref<32x512xf32, #tpu.memory_space<vmem>>)
      %scan3A_205 = arith.constant 0 : i32
      %scan3A_206 = arith.constant 128 : i32
      %scan3A_207 = arith.addi %scan3A_205, %scan3A_206 : i32
      %scan3A_208 = arith.constant 1 : i32
      scf.for %scan3A_217 = %scan3A_205 to %scan3A_207 step %scan3A_208  : i32 {
        %jit3A_218 = arith.constant 4 : i32
        %div3A_219 = arith.divsi %scan3A_217, %jit3A_218 : i32
        %sign3A_220 = arith.constant 0 : i32
        %sign3A_221 = arith.cmpi sgt, %scan3A_217, %sign3A_220 : i32
        %sign3A_222 = arith.extui %sign3A_221 : i1 to i32
        %sign3A_223 = arith.constant 0 : i32
        %sign3A_224 = arith.cmpi slt, %scan3A_217, %sign3A_223 : i32
        %sign3A_225 = arith.extui %sign3A_224 : i1 to i32
        %sign3A_226 = arith.subi %sign3A_222, %sign3A_225 : i32
        %sign3A_227 = arith.constant 0 : i32
        %sign3A_228 = arith.cmpi sgt, %jit3A_218, %sign3A_227 : i32
        %sign3A_229 = arith.extui %sign3A_228 : i1 to i32
        %sign3A_230 = arith.constant 0 : i32
        %sign3A_231 = arith.cmpi slt, %jit3A_218, %sign3A_230 : i32
        %sign3A_232 = arith.extui %sign3A_231 : i1 to i32
        %sign3A_233 = arith.subi %sign3A_229, %sign3A_232 : i32
        %ne3A_234 = arith.cmpi ne, %sign3A_226, %sign3A_233 : i32
        %rem3A_235 = arith.remsi %scan3A_217, %jit3A_218 : i32
        %ne3A_236 = arith.constant 0 : i32
        %ne3A_237 = arith.cmpi ne, %rem3A_235, %ne3A_236 : i32
        %and3A_238 = arith.andi %ne3A_234, %ne3A_237 : i1
        %sub3A_239 = arith.constant 1 : i32
        %sub3A_240 = arith.subi %div3A_219, %sub3A_239 : i32
        %select_n3A_241 = arith.select %and3A_238, %sub3A_240, %div3A_219 : i32
        %jit3A_242 = arith.constant 4 : i32
        %eq3A_243 = arith.constant 0 : i32
        %eq3A_244 = arith.cmpi eq, %jit3A_242, %eq3A_243 : i32
        %jit3A_245 = arith.constant 1 : i32
        %select_n3A_246 = arith.select %eq3A_244, %jit3A_245, %jit3A_242 : i32
        %rem3A_247 = arith.remsi %scan3A_217, %select_n3A_246 : i32
        %ne3A_248 = arith.constant 0 : i32
        %ne3A_249 = arith.cmpi ne, %rem3A_247, %ne3A_248 : i32
        %lt3A_250 = arith.constant 0 : i32
        %lt3A_251 = arith.cmpi slt, %rem3A_247, %lt3A_250 : i32
        %lt3A_252 = arith.constant 0 : i32
        %lt3A_253 = arith.cmpi slt, %select_n3A_246, %lt3A_252 : i32
        %ne3A_254 = arith.xori %lt3A_251, %lt3A_253 : i1
        %and3A_255 = arith.andi %ne3A_254, %ne3A_249 : i1
        %add3A_256 = arith.addi %rem3A_247, %select_n3A_246 : i32
        %select_n3A_257 = arith.select %and3A_255, %add3A_256, %rem3A_247 : i32
        %mul3A_258 = arith.constant 128 : i32
        %mul3A_259 = arith.muli %select_n3A_257, %mul3A_258 : i32
        %add3A_260 = arith.constant 0 : i32
        %add3A_261 = arith.addi %mul3A_259, %add3A_260 : i32
        %get3A = arith.index_cast %select_n3A_241 : i32 to index
        %get3A_262 = arith.index_cast %add3A_261 : i32 to index
        %get3A_263 = tpu.vector_load %arg11[%get3A, %get3A_262] {strides = array<i32>} : memref<32x512xi32, #tpu.memory_space<vmem>>, vector<16xi32>,
        %add3A_264 = arith.constant 16 : i32
        %add3A_265 = arith.addi %mul3A_259, %add3A_264 : i32
        %get3A_266 = arith.index_cast %select_n3A_241 : i32 to index
        %get3A_267 = arith.index_cast %add3A_265 : i32 to index
        %get3A_268 = tpu.vector_load %arg11[%get3A_266, %get3A_267] {strides = array<i32>} : memref<32x512xi32, #tpu.memory_space<vmem>>, vector<16xi32>,
        %add3A_269 = arith.constant 32 : i32
        %add3A_270 = arith.addi %mul3A_259, %add3A_269 : i32
        %get3A_271 = arith.index_cast %select_n3A_241 : i32 to index
        %get3A_272 = arith.index_cast %add3A_270 : i32 to index
        %get3A_273 = tpu.vector_load %arg11[%get3A_271, %get3A_272] {strides = array<i32>} : memref<32x512xi32, #tpu.memory_space<vmem>>, vector<16xi32>,
        %add3A_274 = arith.constant 48 : i32
        %add3A_275 = arith.addi %mul3A_259, %add3A_274 : i32
        %get3A_276 = arith.index_cast %select_n3A_241 : i32 to index
        %get3A_277 = arith.index_cast %add3A_275 : i32 to index
        %get3A_278 = tpu.vector_load %arg11[%get3A_276, %get3A_277] {strides = array<i32>} : memref<32x512xi32, #tpu.memory_space<vmem>>, vector<16xi32>,
        %add3A_279 = arith.constant 64 : i32
        %add3A_280 = arith.addi %mul3A_259, %add3A_279 : i32
        %get3A_281 = arith.index_cast %select_n3A_241 : i32 to index
        %get3A_282 = arith.index_cast %add3A_280 : i32 to index
        %get3A_283 = tpu.vector_load %arg11[%get3A_281, %get3A_282] {strides = array<i32>} : memref<32x512xi32, #tpu.memory_space<vmem>>, vector<16xi32>,
        %add3A_284 = arith.constant 80 : i32
        %add3A_285 = arith.addi %mul3A_259, %add3A_284 : i32
        %get3A_286 = arith.index_cast %select_n3A_241 : i32 to index
        %get3A_287 = arith.index_cast %add3A_285 : i32 to index
        %get3A_288 = tpu.vector_load %arg11[%get3A_286, %get3A_287] {strides = array<i32>} : memref<32x512xi32, #tpu.memory_space<vmem>>, vector<16xi32>,
        %add3A_289 = arith.constant 96 : i32
        %add3A_290 = arith.addi %mul3A_259, %add3A_289 : i32
        %get3A_291 = arith.index_cast %select_n3A_241 : i32 to index
        %get3A_292 = arith.index_cast %add3A_290 : i32 to index
        %get3A_293 = tpu.vector_load %arg11[%get3A_291, %get3A_292] {strides = array<i32>} : memref<32x512xi32, #tpu.memory_space<vmem>>, vector<16xi32>,
        %add3A_294 = arith.constant 112 : i32
        %add3A_295 = arith.addi %mul3A_259, %add3A_294 : i32
        %get3A_296 = arith.index_cast %select_n3A_241 : i32 to index
        %get3A_297 = arith.index_cast %add3A_295 : i32 to index
        %get3A_298 = tpu.vector_load %arg11[%get3A_296, %get3A_297] {strides = array<i32>} : memref<32x512xi32, #tpu.memory_space<vmem>>, vector<16xi32>,
        %add3A_299 = arith.constant 0 : i32
        %add3A_300 = arith.addi %mul3A_259, %add3A_299 : i32
        %get3A_301 = arith.index_cast %select_n3A_241 : i32 to index
        %get3A_302 = arith.index_cast %add3A_300 : i32 to index
        %get3A_303 = tpu.vector_load %arg13[%get3A_301, %get3A_302] {strides = array<i32>} : memref<32x512xf32, #tpu.memory_space<vmem>>, vector<16xf32>,
        %add3A_304 = arith.constant 16 : i32
        %add3A_305 = arith.addi %mul3A_259, %add3A_304 : i32
        %get3A_306 = arith.index_cast %select_n3A_241 : i32 to index
        %get3A_307 = arith.index_cast %add3A_305 : i32 to index
        %get3A_308 = tpu.vector_load %arg13[%get3A_306, %get3A_307] {strides = array<i32>} : memref<32x512xf32, #tpu.memory_space<vmem>>, vector<16xf32>,
        %add3A_309 = arith.constant 32 : i32
        %add3A_310 = arith.addi %mul3A_259, %add3A_309 : i32
        %get3A_311 = arith.index_cast %select_n3A_241 : i32 to index
        %get3A_312 = arith.index_cast %add3A_310 : i32 to index
        %get3A_313 = tpu.vector_load %arg13[%get3A_311, %get3A_312] {strides = array<i32>} : memref<32x512xf32, #tpu.memory_space<vmem>>, vector<16xf32>,
        %add3A_314 = arith.constant 48 : i32
        %add3A_315 = arith.addi %mul3A_259, %add3A_314 : i32
        %get3A_316 = arith.index_cast %select_n3A_241 : i32 to index
        %get3A_317 = arith.index_cast %add3A_315 : i32 to index
        %get3A_318 = tpu.vector_load %arg13[%get3A_316, %get3A_317] {strides = array<i32>} : memref<32x512xf32, #tpu.memory_space<vmem>>, vector<16xf32>,
        %add3A_319 = arith.constant 64 : i32
        %add3A_320 = arith.addi %mul3A_259, %add3A_319 : i32
        %get3A_321 = arith.index_cast %select_n3A_241 : i32 to index
        %get3A_322 = arith.index_cast %add3A_320 : i32 to index
        %get3A_323 = tpu.vector_load %arg13[%get3A_321, %get3A_322] {strides = array<i32>} : memref<32x512xf32, #tpu.memory_space<vmem>>, vector<16xf32>,
        %add3A_324 = arith.constant 80 : i32
        %add3A_325 = arith.addi %mul3A_259, %add3A_324 : i32
        %get3A_326 = arith.index_cast %select_n3A_241 : i32 to index
        %get3A_327 = arith.index_cast %add3A_325 : i32 to index
        %get3A_328 = tpu.vector_load %arg13[%get3A_326, %get3A_327] {strides = array<i32>} : memref<32x512xf32, #tpu.memory_space<vmem>>, vector<16xf32>,
        %add3A_329 = arith.constant 96 : i32
        %add3A_330 = arith.addi %mul3A_259, %add3A_329 : i32
        %get3A_331 = arith.index_cast %select_n3A_241 : i32 to index
        %get3A_332 = arith.index_cast %add3A_330 : i32 to index
        %get3A_333 = tpu.vector_load %arg13[%get3A_331, %get3A_332] {strides = array<i32>} : memref<32x512xf32, #tpu.memory_space<vmem>>, vector<16xf32>,
        %add3A_334 = arith.constant 112 : i32
        %add3A_335 = arith.addi %mul3A_259, %add3A_334 : i32
        %get3A_336 = arith.index_cast %select_n3A_241 : i32 to index
        %get3A_337 = arith.index_cast %add3A_335 : i32 to index
        %get3A_338 = tpu.vector_load %arg13[%get3A_336, %get3A_337] {strides = array<i32>} : memref<32x512xf32, #tpu.memory_space<vmem>>, vector<16xf32>,
        tpu.vector_store_idx %arg5[%get3A_263], %get3A_303 {add = true} : memref<4096xf32, #tpu.memory_space<vmem>>[vector<16xi32>], vector<16xf32>,
        tpu.vector_store_idx %arg6[%get3A_263], %broadcast_in_dim3A_35 {add = true} : memref<4096xf32, #tpu.memory_space<vmem>>[vector<16xi32>], vector<16xf32>,
        tpu.vector_store_idx %arg5[%get3A_268], %get3A_308 {add = true} : memref<4096xf32, #tpu.memory_space<vmem>>[vector<16xi32>], vector<16xf32>,
        tpu.vector_store_idx %arg6[%get3A_268], %broadcast_in_dim3A_35 {add = true} : memref<4096xf32, #tpu.memory_space<vmem>>[vector<16xi32>], vector<16xf32>,
        tpu.vector_store_idx %arg5[%get3A_273], %get3A_313 {add = true} : memref<4096xf32, #tpu.memory_space<vmem>>[vector<16xi32>], vector<16xf32>,
        tpu.vector_store_idx %arg6[%get3A_273], %broadcast_in_dim3A_35 {add = true} : memref<4096xf32, #tpu.memory_space<vmem>>[vector<16xi32>], vector<16xf32>,
        tpu.vector_store_idx %arg5[%get3A_278], %get3A_318 {add = true} : memref<4096xf32, #tpu.memory_space<vmem>>[vector<16xi32>], vector<16xf32>,
        tpu.vector_store_idx %arg6[%get3A_278], %broadcast_in_dim3A_35 {add = true} : memref<4096xf32, #tpu.memory_space<vmem>>[vector<16xi32>], vector<16xf32>,
        tpu.vector_store_idx %arg5[%get3A_283], %get3A_323 {add = true} : memref<4096xf32, #tpu.memory_space<vmem>>[vector<16xi32>], vector<16xf32>,
        tpu.vector_store_idx %arg6[%get3A_283], %broadcast_in_dim3A_35 {add = true} : memref<4096xf32, #tpu.memory_space<vmem>>[vector<16xi32>], vector<16xf32>,
        tpu.vector_store_idx %arg5[%get3A_288], %get3A_328 {add = true} : memref<4096xf32, #tpu.memory_space<vmem>>[vector<16xi32>], vector<16xf32>,
        tpu.vector_store_idx %arg6[%get3A_288], %broadcast_in_dim3A_35 {add = true} : memref<4096xf32, #tpu.memory_space<vmem>>[vector<16xi32>], vector<16xf32>,
        tpu.vector_store_idx %arg5[%get3A_293], %get3A_333 {add = true} : memref<4096xf32, #tpu.memory_space<vmem>>[vector<16xi32>], vector<16xf32>,
        tpu.vector_store_idx %arg6[%get3A_293], %broadcast_in_dim3A_35 {add = true} : memref<4096xf32, #tpu.memory_space<vmem>>[vector<16xi32>], vector<16xf32>,
        tpu.vector_store_idx %arg5[%get3A_298], %get3A_338 {add = true} : memref<4096xf32, #tpu.memory_space<vmem>>[vector<16xi32>], vector<16xf32>,
        tpu.vector_store_idx %arg6[%get3A_298], %broadcast_in_dim3A_35 {add = true} : memref<4096xf32, #tpu.memory_space<vmem>>[vector<16xi32>], vector<16xf32>,
      }
      %scan3A_209 = arith.constant 128 : i32
      %add3A_210 = arith.constant 2 : i32
      %add3A_211 = arith.addi %add3A_186, %add3A_210 : i32
      %lt3A_212 = arith.constant 16 : i32
      %lt3A_213 = arith.cmpi slt, %add3A_211, %lt3A_212 : i32
      %convert_element_type3A_214 = arith.extui %lt3A_213 : i1 to i32
      %cond3A_215 = arith.constant 0 : i32
      %cond3A_216 = arith.cmpi ne, %convert_element_type3A_214, %cond3A_215 : i32
      scf.if %cond3A_216 {
        %mul3A_217 = arith.constant 32 : i32
        %mul3A_218 = arith.muli %add3A_211, %mul3A_217 : i32
        %add3A_219 = arith.addi %mul3A_32, %mul3A_218 : i32
        %multiple_of3A_220 = tpu.assume_multiple %add3A_219, 32 : i32
        %dma_start3A_221 = arith.constant 0 : i32
        %dma_start3A_222 = tpu.memref_slice %arg3[%add3A, %multiple_of3A_220, %dma_start3A_221] : memref<8x2048x512xi32, #tpu.memory_space<hbm>> -> memref<1x32x512xi32, #tpu.memory_space<hbm>>
        %dma_start3A_223 = tpu.memref_squeeze %dma_start3A_222 : memref<1x32x512xi32, #tpu.memory_space<hbm>> -> memref<32x512xi32, #tpu.memory_space<hbm>>
        %dma_start3A_224 = arith.constant 0 : i32
        %dma_start3A_225 = tpu.memref_slice %arg3[%add3A, %multiple_of3A_220, %dma_start3A_224] : memref<8x2048x512xi32, #tpu.memory_space<hbm>> -> memref<1x32x512xi32, #tpu.memory_space<hbm>>
        %dma_start3A_226 = tpu.memref_squeeze %dma_start3A_225 : memref<1x32x512xi32, #tpu.memory_space<hbm>> -> memref<32x512xi32, #tpu.memory_space<hbm>>
        tpu.enqueue_dma source(%dma_start3A_226 : memref<32x512xi32, #tpu.memory_space<hbm>>) target(%arg11 : memref<32x512xi32, #tpu.memory_space<vmem>>) target_semaphore(%arg17 : memref<!tpu.dma_semaphore, #tpu.memory_space<semaphore_mem>>)
        %mul3A_227 = arith.constant 32 : i32
        %mul3A_228 = arith.muli %add3A_211, %mul3A_227 : i32
        %add3A_229 = arith.addi %mul3A_32, %mul3A_228 : i32
        %multiple_of3A_230 = tpu.assume_multiple %add3A_229, 32 : i32
        %dma_start3A_231 = arith.constant 0 : i32
        %dma_start3A_232 = tpu.memref_slice %arg2[%add3A, %multiple_of3A_230, %dma_start3A_231] : memref<8x2048x512xf32, #tpu.memory_space<hbm>> -> memref<1x32x512xf32, #tpu.memory_space<hbm>>
        %dma_start3A_233 = tpu.memref_squeeze %dma_start3A_232 : memref<1x32x512xf32, #tpu.memory_space<hbm>> -> memref<32x512xf32, #tpu.memory_space<hbm>>
        %dma_start3A_234 = arith.constant 0 : i32
        %dma_start3A_235 = tpu.memref_slice %arg2[%add3A, %multiple_of3A_230, %dma_start3A_234] : memref<8x2048x512xf32, #tpu.memory_space<hbm>> -> memref<1x32x512xf32, #tpu.memory_space<hbm>>
        %dma_start3A_236 = tpu.memref_squeeze %dma_start3A_235 : memref<1x32x512xf32, #tpu.memory_space<hbm>> -> memref<32x512xf32, #tpu.memory_space<hbm>>
        tpu.enqueue_dma source(%dma_start3A_236 : memref<32x512xf32, #tpu.memory_space<hbm>>) target(%arg13 : memref<32x512xf32, #tpu.memory_space<vmem>>) target_semaphore(%arg17 : memref<!tpu.dma_semaphore, #tpu.memory_space<semaphore_mem>>)
      } else {
      }
    }
    %scan3A_78 = arith.constant 8 : i32
    "tpu.region"() ({
      %run_scoped3A = tpu.sem_alloc : memref<!tpu.dma_semaphore, #tpu.memory_space<semaphore_mem>>
      %dma_start3A_150 = arith.constant 0 : i32
      %dma_start3A_151 = tpu.memref_slice %arg14[%arg1, %dma_start3A_150] : memref<16x4096xf32, #tpu.memory_space<vmem_shared>> -> memref<1x4096xf32, #tpu.memory_space<vmem_shared>>
      %dma_start3A_152 = tpu.memref_squeeze %dma_start3A_151 : memref<1x4096xf32, #tpu.memory_space<vmem_shared>> -> memref<4096xf32, #tpu.memory_space<vmem_shared>>
      %dma_start3A_153 = arith.constant 0 : i32
      %dma_start3A_154 = tpu.memref_slice %arg14[%arg1, %dma_start3A_153] : memref<16x4096xf32, #tpu.memory_space<vmem_shared>> -> memref<1x4096xf32, #tpu.memory_space<vmem_shared>>
      %dma_start3A_155 = tpu.memref_squeeze %dma_start3A_154 : memref<1x4096xf32, #tpu.memory_space<vmem_shared>> -> memref<4096xf32, #tpu.memory_space<vmem_shared>>
      tpu.enqueue_dma source(%arg5 : memref<4096xf32, #tpu.memory_space<vmem>>) target(%dma_start3A_155 : memref<4096xf32, #tpu.memory_space<vmem_shared>>) target_semaphore(%run_scoped3A : memref<!tpu.dma_semaphore, #tpu.memory_space<semaphore_mem>>)
      %dma_wait3A_156 = arith.constant 0 : i32
      %dma_wait3A_157 = tpu.memref_slice %arg14[%arg1, %dma_wait3A_156] : memref<16x4096xf32, #tpu.memory_space<vmem_shared>> -> memref<1x4096xf32, #tpu.memory_space<vmem_shared>>
      %dma_wait3A_158 = tpu.memref_squeeze %dma_wait3A_157 : memref<1x4096xf32, #tpu.memory_space<vmem_shared>> -> memref<4096xf32, #tpu.memory_space<vmem_shared>>
      %dma_wait3A_159 = arith.constant 0 : i32
      %dma_wait3A_160 = tpu.memref_slice %arg14[%arg1, %dma_wait3A_159] : memref<16x4096xf32, #tpu.memory_space<vmem_shared>> -> memref<1x4096xf32, #tpu.memory_space<vmem_shared>>
      %dma_wait3A_161 = tpu.memref_squeeze %dma_wait3A_160 : memref<1x4096xf32, #tpu.memory_space<vmem_shared>> -> memref<4096xf32, #tpu.memory_space<vmem_shared>>
      tpu.wait_dma2 semaphore(%run_scoped3A : memref<!tpu.dma_semaphore, #tpu.memory_space<semaphore_mem>>) src(%arg5 : memref<4096xf32, #tpu.memory_space<vmem>>) dst(%dma_wait3A_161 : memref<4096xf32, #tpu.memory_space<vmem_shared>>)
      tpu.yield
    }) : () -> ()
    "tpu.region"() ({
      %run_scoped3A = tpu.sem_alloc : memref<!tpu.dma_semaphore, #tpu.memory_space<semaphore_mem>>
      %dma_start3A_150 = arith.constant 0 : i32
      %dma_start3A_151 = tpu.memref_slice %arg15[%arg1, %dma_start3A_150] : memref<16x4096xf32, #tpu.memory_space<vmem_shared>> -> memref<1x4096xf32, #tpu.memory_space<vmem_shared>>
      %dma_start3A_152 = tpu.memref_squeeze %dma_start3A_151 : memref<1x4096xf32, #tpu.memory_space<vmem_shared>> -> memref<4096xf32, #tpu.memory_space<vmem_shared>>
      %dma_start3A_153 = arith.constant 0 : i32
      %dma_start3A_154 = tpu.memref_slice %arg15[%arg1, %dma_start3A_153] : memref<16x4096xf32, #tpu.memory_space<vmem_shared>> -> memref<1x4096xf32, #tpu.memory_space<vmem_shared>>
      %dma_start3A_155 = tpu.memref_squeeze %dma_start3A_154 : memref<1x4096xf32, #tpu.memory_space<vmem_shared>> -> memref<4096xf32, #tpu.memory_space<vmem_shared>>
      tpu.enqueue_dma source(%arg6 : memref<4096xf32, #tpu.memory_space<vmem>>) target(%dma_start3A_155 : memref<4096xf32, #tpu.memory_space<vmem_shared>>) target_semaphore(%run_scoped3A : memref<!tpu.dma_semaphore, #tpu.memory_space<semaphore_mem>>)
      %dma_wait3A_156 = arith.constant 0 : i32
      %dma_wait3A_157 = tpu.memref_slice %arg15[%arg1, %dma_wait3A_156] : memref<16x4096xf32, #tpu.memory_space<vmem_shared>> -> memref<1x4096xf32, #tpu.memory_space<vmem_shared>>
      %dma_wait3A_158 = tpu.memref_squeeze %dma_wait3A_157 : memref<1x4096xf32, #tpu.memory_space<vmem_shared>> -> memref<4096xf32, #tpu.memory_space<vmem_shared>>
      %dma_wait3A_159 = arith.constant 0 : i32
      %dma_wait3A_160 = tpu.memref_slice %arg15[%arg1, %dma_wait3A_159] : memref<16x4096xf32, #tpu.memory_space<vmem_shared>> -> memref<1x4096xf32, #tpu.memory_space<vmem_shared>>
      %dma_wait3A_161 = tpu.memref_squeeze %dma_wait3A_160 : memref<1x4096xf32, #tpu.memory_space<vmem_shared>> -> memref<4096xf32, #tpu.memory_space<vmem_shared>>
      tpu.wait_dma2 semaphore(%run_scoped3A : memref<!tpu.dma_semaphore, #tpu.memory_space<semaphore_mem>>) src(%arg6 : memref<4096xf32, #tpu.memory_space<vmem>>) dst(%dma_wait3A_161 : memref<4096xf32, #tpu.memory_space<vmem_shared>>)
      tpu.yield
    }) : () -> ()
    %barrier3A = arith.constant 0 : index
    tpu.barrier barrier_id(%barrier3A)
    %jit3A_79 = arith.constant 4 : i32
    %div3A_80 = arith.divsi %arg1, %jit3A_79 : i32
    %sign3A_81 = arith.constant 0 : i32
    %sign3A_82 = arith.cmpi sgt, %arg1, %sign3A_81 : i32
    %sign3A_83 = arith.extui %sign3A_82 : i1 to i32
    %sign3A_84 = arith.constant 0 : i32
    %sign3A_85 = arith.cmpi slt, %arg1, %sign3A_84 : i32
    %sign3A_86 = arith.extui %sign3A_85 : i1 to i32
    %sign3A_87 = arith.subi %sign3A_83, %sign3A_86 : i32
    %sign3A_88 = arith.constant 0 : i32
    %sign3A_89 = arith.cmpi sgt, %jit3A_79, %sign3A_88 : i32
    %sign3A_90 = arith.extui %sign3A_89 : i1 to i32
    %sign3A_91 = arith.constant 0 : i32
    %sign3A_92 = arith.cmpi slt, %jit3A_79, %sign3A_91 : i32
    %sign3A_93 = arith.extui %sign3A_92 : i1 to i32
    %sign3A_94 = arith.subi %sign3A_90, %sign3A_93 : i32
    %ne3A_95 = arith.cmpi ne, %sign3A_87, %sign3A_94 : i32
    %rem3A_96 = arith.remsi %arg1, %jit3A_79 : i32
    %ne3A_97 = arith.constant 0 : i32
    %ne3A_98 = arith.cmpi ne, %rem3A_96, %ne3A_97 : i32
    %and3A_99 = arith.andi %ne3A_95, %ne3A_98 : i1
    %sub3A_100 = arith.constant 1 : i32
    %sub3A_101 = arith.subi %div3A_80, %sub3A_100 : i32
    %select_n3A_102 = arith.select %and3A_99, %sub3A_101, %div3A_80 : i32
    %mul3A_103 = arith.constant 4 : i32
    %mul3A_104 = arith.muli %select_n3A_102, %mul3A_103 : i32
    "tpu.region"() ({
      %run_scoped3A = tpu.sem_alloc : memref<!tpu.dma_semaphore, #tpu.memory_space<semaphore_mem>>
      %dma_start3A_150 = arith.constant 0 : i32
      %dma_start3A_151 = tpu.memref_slice %arg14[%mul3A_104, %dma_start3A_150] : memref<16x4096xf32, #tpu.memory_space<vmem_shared>> -> memref<4x4096xf32, #tpu.memory_space<vmem_shared>>
      %dma_start3A_152 = arith.constant 0 : i32
      %dma_start3A_153 = tpu.memref_slice %arg14[%mul3A_104, %dma_start3A_152] : memref<16x4096xf32, #tpu.memory_space<vmem_shared>> -> memref<4x4096xf32, #tpu.memory_space<vmem_shared>>
      tpu.enqueue_dma source(%dma_start3A_153 : memref<4x4096xf32, #tpu.memory_space<vmem_shared>>) target(%arg8 : memref<4x4096xf32, #tpu.memory_space<vmem>>) target_semaphore(%run_scoped3A : memref<!tpu.dma_semaphore, #tpu.memory_space<semaphore_mem>>)
      %dma_wait3A_154 = arith.constant 0 : i32
      %dma_wait3A_155 = tpu.memref_slice %arg14[%mul3A_104, %dma_wait3A_154] : memref<16x4096xf32, #tpu.memory_space<vmem_shared>> -> memref<4x4096xf32, #tpu.memory_space<vmem_shared>>
      %dma_wait3A_156 = arith.constant 0 : i32
      %dma_wait3A_157 = tpu.memref_slice %arg14[%mul3A_104, %dma_wait3A_156] : memref<16x4096xf32, #tpu.memory_space<vmem_shared>> -> memref<4x4096xf32, #tpu.memory_space<vmem_shared>>
      tpu.wait_dma2 semaphore(%run_scoped3A : memref<!tpu.dma_semaphore, #tpu.memory_space<semaphore_mem>>) src(%dma_wait3A_157 : memref<4x4096xf32, #tpu.memory_space<vmem_shared>>) dst(%arg8 : memref<4x4096xf32, #tpu.memory_space<vmem>>)
      tpu.yield
    }) : () -> ()
    "tpu.region"() ({
      %run_scoped3A = tpu.sem_alloc : memref<!tpu.dma_semaphore, #tpu.memory_space<semaphore_mem>>
      %dma_start3A_150 = arith.constant 0 : i32
      %dma_start3A_151 = tpu.memref_slice %arg15[%mul3A_104, %dma_start3A_150] : memref<16x4096xf32, #tpu.memory_space<vmem_shared>> -> memref<4x4096xf32, #tpu.memory_space<vmem_shared>>
      %dma_start3A_152 = arith.constant 0 : i32
      %dma_start3A_153 = tpu.memref_slice %arg15[%mul3A_104, %dma_start3A_152] : memref<16x4096xf32, #tpu.memory_space<vmem_shared>> -> memref<4x4096xf32, #tpu.memory_space<vmem_shared>>
      tpu.enqueue_dma source(%dma_start3A_153 : memref<4x4096xf32, #tpu.memory_space<vmem_shared>>) target(%arg9 : memref<4x4096xf32, #tpu.memory_space<vmem>>) target_semaphore(%run_scoped3A : memref<!tpu.dma_semaphore, #tpu.memory_space<semaphore_mem>>)
      %dma_wait3A_154 = arith.constant 0 : i32
      %dma_wait3A_155 = tpu.memref_slice %arg15[%mul3A_104, %dma_wait3A_154] : memref<16x4096xf32, #tpu.memory_space<vmem_shared>> -> memref<4x4096xf32, #tpu.memory_space<vmem_shared>>
      %dma_wait3A_156 = arith.constant 0 : i32
      %dma_wait3A_157 = tpu.memref_slice %arg15[%mul3A_104, %dma_wait3A_156] : memref<16x4096xf32, #tpu.memory_space<vmem_shared>> -> memref<4x4096xf32, #tpu.memory_space<vmem_shared>>
      tpu.wait_dma2 semaphore(%run_scoped3A : memref<!tpu.dma_semaphore, #tpu.memory_space<semaphore_mem>>) src(%dma_wait3A_157 : memref<4x4096xf32, #tpu.memory_space<vmem_shared>>) dst(%arg9 : memref<4x4096xf32, #tpu.memory_space<vmem>>)
      tpu.yield
    }) : () -> ()
    %scan3A_105 = arith.constant 0 : i32
    %scan3A_106 = arith.constant 32 : i32
    %scan3A_107 = arith.addi %scan3A_105, %scan3A_106 : i32
    %scan3A_108 = arith.constant 1 : i32
    scf.for %scan3A_150 = %scan3A_105 to %scan3A_107 step %scan3A_108  : i32 {
      %mul3A_151 = arith.constant 128 : i32
      %mul3A_152 = arith.muli %scan3A_150, %mul3A_151 : i32
      %add3A_153 = arith.constant 0 : i32
      %add3A_154 = arith.addi %mul3A_152, %add3A_153 : i32
      %get3A = arith.constant 0 : i32
      %get3A_155 = arith.index_cast %get3A : i32 to index
      %get3A_156 = arith.index_cast %add3A_154 : i32 to index
      %get3A_157 = tpu.vector_load %arg8[%get3A_155, %get3A_156] {strides = array<i32>} : memref<4x4096xf32, #tpu.memory_space<vmem>>, vector<16xf32>,
      %get3A_158 = arith.constant 1 : i32
      %get3A_159 = arith.index_cast %get3A_158 : i32 to index
      %get3A_160 = arith.index_cast %add3A_154 : i32 to index
      %get3A_161 = tpu.vector_load %arg8[%get3A_159, %get3A_160] {strides = array<i32>} : memref<4x4096xf32, #tpu.memory_space<vmem>>, vector<16xf32>,
      %add3A_162 = arith.addf %get3A_157, %get3A_161 : vector<16xf32>
      %get3A_163 = arith.constant 2 : i32
      %get3A_164 = arith.index_cast %get3A_163 : i32 to index
      %get3A_165 = arith.index_cast %add3A_154 : i32 to index
      %get3A_166 = tpu.vector_load %arg8[%get3A_164, %get3A_165] {strides = array<i32>} : memref<4x4096xf32, #tpu.memory_space<vmem>>, vector<16xf32>,
      %add3A_167 = arith.addf %add3A_162, %get3A_166 : vector<16xf32>
      %get3A_168 = arith.constant 3 : i32
      %get3A_169 = arith.index_cast %get3A_168 : i32 to index
      %get3A_170 = arith.index_cast %add3A_154 : i32 to index
      %get3A_171 = tpu.vector_load %arg8[%get3A_169, %get3A_170] {strides = array<i32>} : memref<4x4096xf32, #tpu.memory_space<vmem>>, vector<16xf32>,
      %add3A_172 = arith.addf %add3A_167, %get3A_171 : vector<16xf32>
      %get3A_173 = arith.constant 0 : i32
      %get3A_174 = arith.index_cast %get3A_173 : i32 to index
      %get3A_175 = arith.index_cast %add3A_154 : i32 to index
      %get3A_176 = tpu.vector_load %arg9[%get3A_174, %get3A_175] {strides = array<i32>} : memref<4x4096xf32, #tpu.memory_space<vmem>>, vector<16xf32>,
      %get3A_177 = arith.constant 1 : i32
      %get3A_178 = arith.index_cast %get3A_177 : i32 to index
      %get3A_179 = arith.index_cast %add3A_154 : i32 to index
      %get3A_180 = tpu.vector_load %arg9[%get3A_178, %get3A_179] {strides = array<i32>} : memref<4x4096xf32, #tpu.memory_space<vmem>>, vector<16xf32>,
      %add3A_181 = arith.addf %get3A_176, %get3A_180 : vector<16xf32>
      %get3A_182 = arith.constant 2 : i32
      %get3A_183 = arith.index_cast %get3A_182 : i32 to index
      %get3A_184 = arith.index_cast %add3A_154 : i32 to index
      %get3A_185 = tpu.vector_load %arg9[%get3A_183, %get3A_184] {strides = array<i32>} : memref<4x4096xf32, #tpu.memory_space<vmem>>, vector<16xf32>,
      %add3A_186 = arith.addf %add3A_181, %get3A_185 : vector<16xf32>
      %get3A_187 = arith.constant 3 : i32
      %get3A_188 = arith.index_cast %get3A_187 : i32 to index
      %get3A_189 = arith.index_cast %add3A_154 : i32 to index
      %get3A_190 = tpu.vector_load %arg9[%get3A_188, %get3A_189] {strides = array<i32>} : memref<4x4096xf32, #tpu.memory_space<vmem>>, vector<16xf32>,
      %add3A_191 = arith.addf %add3A_186, %get3A_190 : vector<16xf32>
      %div3A_192 = arith.divf %add3A_172, %add3A_191 : vector<16xf32>
      %swap3A = arith.index_cast %add3A_154 : i32 to index
      %swap3A_193 = tpu.vector_load %arg7[%swap3A] {strides = array<i32>} : memref<4096xf32, #tpu.memory_space<vmem>>, vector<16xf32>,
      tpu.vector_store %arg7[%swap3A], %div3A_192 {strides = array<i32>} : memref<4096xf32, #tpu.memory_space<vmem>>, vector<16xf32>,
      %mul3A_194 = arith.constant 128 : i32
      %mul3A_195 = arith.muli %scan3A_150, %mul3A_194 : i32
      %add3A_196 = arith.constant 16 : i32
      %add3A_197 = arith.addi %mul3A_195, %add3A_196 : i32
      %get3A_198 = arith.constant 0 : i32
      %get3A_199 = arith.index_cast %get3A_198 : i32 to index
      %get3A_200 = arith.index_cast %add3A_197 : i32 to index
      %get3A_201 = tpu.vector_load %arg8[%get3A_199, %get3A_200] {strides = array<i32>} : memref<4x4096xf32, #tpu.memory_space<vmem>>, vector<16xf32>,
      %get3A_202 = arith.constant 1 : i32
      %get3A_203 = arith.index_cast %get3A_202 : i32 to index
      %get3A_204 = arith.index_cast %add3A_197 : i32 to index
      %get3A_205 = tpu.vector_load %arg8[%get3A_203, %get3A_204] {strides = array<i32>} : memref<4x4096xf32, #tpu.memory_space<vmem>>, vector<16xf32>,
      %add3A_206 = arith.addf %get3A_201, %get3A_205 : vector<16xf32>
      %get3A_207 = arith.constant 2 : i32
      %get3A_208 = arith.index_cast %get3A_207 : i32 to index
      %get3A_209 = arith.index_cast %add3A_197 : i32 to index
      %get3A_210 = tpu.vector_load %arg8[%get3A_208, %get3A_209] {strides = array<i32>} : memref<4x4096xf32, #tpu.memory_space<vmem>>, vector<16xf32>,
      %add3A_211 = arith.addf %add3A_206, %get3A_210 : vector<16xf32>
      %get3A_212 = arith.constant 3 : i32
      %get3A_213 = arith.index_cast %get3A_212 : i32 to index
      %get3A_214 = arith.index_cast %add3A_197 : i32 to index
      %get3A_215 = tpu.vector_load %arg8[%get3A_213, %get3A_214] {strides = array<i32>} : memref<4x4096xf32, #tpu.memory_space<vmem>>, vector<16xf32>,
      %add3A_216 = arith.addf %add3A_211, %get3A_215 : vector<16xf32>
      %get3A_217 = arith.constant 0 : i32
      %get3A_218 = arith.index_cast %get3A_217 : i32 to index
      %get3A_219 = arith.index_cast %add3A_197 : i32 to index
      %get3A_220 = tpu.vector_load %arg9[%get3A_218, %get3A_219] {strides = array<i32>} : memref<4x4096xf32, #tpu.memory_space<vmem>>, vector<16xf32>,
      %get3A_221 = arith.constant 1 : i32
      %get3A_222 = arith.index_cast %get3A_221 : i32 to index
      %get3A_223 = arith.index_cast %add3A_197 : i32 to index
      %get3A_224 = tpu.vector_load %arg9[%get3A_222, %get3A_223] {strides = array<i32>} : memref<4x4096xf32, #tpu.memory_space<vmem>>, vector<16xf32>,
      %add3A_225 = arith.addf %get3A_220, %get3A_224 : vector<16xf32>
      %get3A_226 = arith.constant 2 : i32
      %get3A_227 = arith.index_cast %get3A_226 : i32 to index
      %get3A_228 = arith.index_cast %add3A_197 : i32 to index
      %get3A_229 = tpu.vector_load %arg9[%get3A_227, %get3A_228] {strides = array<i32>} : memref<4x4096xf32, #tpu.memory_space<vmem>>, vector<16xf32>,
      %add3A_230 = arith.addf %add3A_225, %get3A_229 : vector<16xf32>
      %get3A_231 = arith.constant 3 : i32
      %get3A_232 = arith.index_cast %get3A_231 : i32 to index
      %get3A_233 = arith.index_cast %add3A_197 : i32 to index
      %get3A_234 = tpu.vector_load %arg9[%get3A_232, %get3A_233] {strides = array<i32>} : memref<4x4096xf32, #tpu.memory_space<vmem>>, vector<16xf32>,
      %add3A_235 = arith.addf %add3A_230, %get3A_234 : vector<16xf32>
      %div3A_236 = arith.divf %add3A_216, %add3A_235 : vector<16xf32>
      %swap3A_237 = arith.index_cast %add3A_197 : i32 to index
      %swap3A_238 = tpu.vector_load %arg7[%swap3A_237] {strides = array<i32>} : memref<4096xf32, #tpu.memory_space<vmem>>, vector<16xf32>,
      tpu.vector_store %arg7[%swap3A_237], %div3A_236 {strides = array<i32>} : memref<4096xf32, #tpu.memory_space<vmem>>, vector<16xf32>,
      %mul3A_239 = arith.constant 128 : i32
      %mul3A_240 = arith.muli %scan3A_150, %mul3A_239 : i32
      %add3A_241 = arith.constant 32 : i32
      %add3A_242 = arith.addi %mul3A_240, %add3A_241 : i32
      %get3A_243 = arith.constant 0 : i32
      %get3A_244 = arith.index_cast %get3A_243 : i32 to index
      %get3A_245 = arith.index_cast %add3A_242 : i32 to index
      %get3A_246 = tpu.vector_load %arg8[%get3A_244, %get3A_245] {strides = array<i32>} : memref<4x4096xf32, #tpu.memory_space<vmem>>, vector<16xf32>,
      %get3A_247 = arith.constant 1 : i32
      %get3A_248 = arith.index_cast %get3A_247 : i32 to index
      %get3A_249 = arith.index_cast %add3A_242 : i32 to index
      %get3A_250 = tpu.vector_load %arg8[%get3A_248, %get3A_249] {strides = array<i32>} : memref<4x4096xf32, #tpu.memory_space<vmem>>, vector<16xf32>,
      %add3A_251 = arith.addf %get3A_246, %get3A_250 : vector<16xf32>
      %get3A_252 = arith.constant 2 : i32
      %get3A_253 = arith.index_cast %get3A_252 : i32 to index
      %get3A_254 = arith.index_cast %add3A_242 : i32 to index
      %get3A_255 = tpu.vector_load %arg8[%get3A_253, %get3A_254] {strides = array<i32>} : memref<4x4096xf32, #tpu.memory_space<vmem>>, vector<16xf32>,
      %add3A_256 = arith.addf %add3A_251, %get3A_255 : vector<16xf32>
      %get3A_257 = arith.constant 3 : i32
      %get3A_258 = arith.index_cast %get3A_257 : i32 to index
      %get3A_259 = arith.index_cast %add3A_242 : i32 to index
      %get3A_260 = tpu.vector_load %arg8[%get3A_258, %get3A_259] {strides = array<i32>} : memref<4x4096xf32, #tpu.memory_space<vmem>>, vector<16xf32>,
      %add3A_261 = arith.addf %add3A_256, %get3A_260 : vector<16xf32>
      %get3A_262 = arith.constant 0 : i32
      %get3A_263 = arith.index_cast %get3A_262 : i32 to index
      %get3A_264 = arith.index_cast %add3A_242 : i32 to index
      %get3A_265 = tpu.vector_load %arg9[%get3A_263, %get3A_264] {strides = array<i32>} : memref<4x4096xf32, #tpu.memory_space<vmem>>, vector<16xf32>,
      %get3A_266 = arith.constant 1 : i32
      %get3A_267 = arith.index_cast %get3A_266 : i32 to index
      %get3A_268 = arith.index_cast %add3A_242 : i32 to index
      %get3A_269 = tpu.vector_load %arg9[%get3A_267, %get3A_268] {strides = array<i32>} : memref<4x4096xf32, #tpu.memory_space<vmem>>, vector<16xf32>,
      %add3A_270 = arith.addf %get3A_265, %get3A_269 : vector<16xf32>
      %get3A_271 = arith.constant 2 : i32
      %get3A_272 = arith.index_cast %get3A_271 : i32 to index
      %get3A_273 = arith.index_cast %add3A_242 : i32 to index
      %get3A_274 = tpu.vector_load %arg9[%get3A_272, %get3A_273] {strides = array<i32>} : memref<4x4096xf32, #tpu.memory_space<vmem>>, vector<16xf32>,
      %add3A_275 = arith.addf %add3A_270, %get3A_274 : vector<16xf32>
      %get3A_276 = arith.constant 3 : i32
      %get3A_277 = arith.index_cast %get3A_276 : i32 to index
      %get3A_278 = arith.index_cast %add3A_242 : i32 to index
      %get3A_279 = tpu.vector_load %arg9[%get3A_277, %get3A_278] {strides = array<i32>} : memref<4x4096xf32, #tpu.memory_space<vmem>>, vector<16xf32>,
      %add3A_280 = arith.addf %add3A_275, %get3A_279 : vector<16xf32>
      %div3A_281 = arith.divf %add3A_261, %add3A_280 : vector<16xf32>
      %swap3A_282 = arith.index_cast %add3A_242 : i32 to index
      %swap3A_283 = tpu.vector_load %arg7[%swap3A_282] {strides = array<i32>} : memref<4096xf32, #tpu.memory_space<vmem>>, vector<16xf32>,
      tpu.vector_store %arg7[%swap3A_282], %div3A_281 {strides = array<i32>} : memref<4096xf32, #tpu.memory_space<vmem>>, vector<16xf32>,
      %mul3A_284 = arith.constant 128 : i32
      %mul3A_285 = arith.muli %scan3A_150, %mul3A_284 : i32
      %add3A_286 = arith.constant 48 : i32
      %add3A_287 = arith.addi %mul3A_285, %add3A_286 : i32
      %get3A_288 = arith.constant 0 : i32
      %get3A_289 = arith.index_cast %get3A_288 : i32 to index
      %get3A_290 = arith.index_cast %add3A_287 : i32 to index
      %get3A_291 = tpu.vector_load %arg8[%get3A_289, %get3A_290] {strides = array<i32>} : memref<4x4096xf32, #tpu.memory_space<vmem>>, vector<16xf32>,
      %get3A_292 = arith.constant 1 : i32
      %get3A_293 = arith.index_cast %get3A_292 : i32 to index
      %get3A_294 = arith.index_cast %add3A_287 : i32 to index
      %get3A_295 = tpu.vector_load %arg8[%get3A_293, %get3A_294] {strides = array<i32>} : memref<4x4096xf32, #tpu.memory_space<vmem>>, vector<16xf32>,
      %add3A_296 = arith.addf %get3A_291, %get3A_295 : vector<16xf32>
      %get3A_297 = arith.constant 2 : i32
      %get3A_298 = arith.index_cast %get3A_297 : i32 to index
      %get3A_299 = arith.index_cast %add3A_287 : i32 to index
      %get3A_300 = tpu.vector_load %arg8[%get3A_298, %get3A_299] {strides = array<i32>} : memref<4x4096xf32, #tpu.memory_space<vmem>>, vector<16xf32>,
      %add3A_301 = arith.addf %add3A_296, %get3A_300 : vector<16xf32>
      %get3A_302 = arith.constant 3 : i32
      %get3A_303 = arith.index_cast %get3A_302 : i32 to index
      %get3A_304 = arith.index_cast %add3A_287 : i32 to index
      %get3A_305 = tpu.vector_load %arg8[%get3A_303, %get3A_304] {strides = array<i32>} : memref<4x4096xf32, #tpu.memory_space<vmem>>, vector<16xf32>,
      %add3A_306 = arith.addf %add3A_301, %get3A_305 : vector<16xf32>
      %get3A_307 = arith.constant 0 : i32
      %get3A_308 = arith.index_cast %get3A_307 : i32 to index
      %get3A_309 = arith.index_cast %add3A_287 : i32 to index
      %get3A_310 = tpu.vector_load %arg9[%get3A_308, %get3A_309] {strides = array<i32>} : memref<4x4096xf32, #tpu.memory_space<vmem>>, vector<16xf32>,
      %get3A_311 = arith.constant 1 : i32
      %get3A_312 = arith.index_cast %get3A_311 : i32 to index
      %get3A_313 = arith.index_cast %add3A_287 : i32 to index
      %get3A_314 = tpu.vector_load %arg9[%get3A_312, %get3A_313] {strides = array<i32>} : memref<4x4096xf32, #tpu.memory_space<vmem>>, vector<16xf32>,
      %add3A_315 = arith.addf %get3A_310, %get3A_314 : vector<16xf32>
      %get3A_316 = arith.constant 2 : i32
      %get3A_317 = arith.index_cast %get3A_316 : i32 to index
      %get3A_318 = arith.index_cast %add3A_287 : i32 to index
      %get3A_319 = tpu.vector_load %arg9[%get3A_317, %get3A_318] {strides = array<i32>} : memref<4x4096xf32, #tpu.memory_space<vmem>>, vector<16xf32>,
      %add3A_320 = arith.addf %add3A_315, %get3A_319 : vector<16xf32>
      %get3A_321 = arith.constant 3 : i32
      %get3A_322 = arith.index_cast %get3A_321 : i32 to index
      %get3A_323 = arith.index_cast %add3A_287 : i32 to index
      %get3A_324 = tpu.vector_load %arg9[%get3A_322, %get3A_323] {strides = array<i32>} : memref<4x4096xf32, #tpu.memory_space<vmem>>, vector<16xf32>,
      %add3A_325 = arith.addf %add3A_320, %get3A_324 : vector<16xf32>
      %div3A_326 = arith.divf %add3A_306, %add3A_325 : vector<16xf32>
      %swap3A_327 = arith.index_cast %add3A_287 : i32 to index
      %swap3A_328 = tpu.vector_load %arg7[%swap3A_327] {strides = array<i32>} : memref<4096xf32, #tpu.memory_space<vmem>>, vector<16xf32>,
      tpu.vector_store %arg7[%swap3A_327], %div3A_326 {strides = array<i32>} : memref<4096xf32, #tpu.memory_space<vmem>>, vector<16xf32>,
      %mul3A_329 = arith.constant 128 : i32
      %mul3A_330 = arith.muli %scan3A_150, %mul3A_329 : i32
      %add3A_331 = arith.constant 64 : i32
      %add3A_332 = arith.addi %mul3A_330, %add3A_331 : i32
      %get3A_333 = arith.constant 0 : i32
      %get3A_334 = arith.index_cast %get3A_333 : i32 to index
      %get3A_335 = arith.index_cast %add3A_332 : i32 to index
      %get3A_336 = tpu.vector_load %arg8[%get3A_334, %get3A_335] {strides = array<i32>} : memref<4x4096xf32, #tpu.memory_space<vmem>>, vector<16xf32>,
      %get3A_337 = arith.constant 1 : i32
      %get3A_338 = arith.index_cast %get3A_337 : i32 to index
      %get3A_339 = arith.index_cast %add3A_332 : i32 to index
      %get3A_340 = tpu.vector_load %arg8[%get3A_338, %get3A_339] {strides = array<i32>} : memref<4x4096xf32, #tpu.memory_space<vmem>>, vector<16xf32>,
      %add3A_341 = arith.addf %get3A_336, %get3A_340 : vector<16xf32>
      %get3A_342 = arith.constant 2 : i32
      %get3A_343 = arith.index_cast %get3A_342 : i32 to index
      %get3A_344 = arith.index_cast %add3A_332 : i32 to index
      %get3A_345 = tpu.vector_load %arg8[%get3A_343, %get3A_344] {strides = array<i32>} : memref<4x4096xf32, #tpu.memory_space<vmem>>, vector<16xf32>,
      %add3A_346 = arith.addf %add3A_341, %get3A_345 : vector<16xf32>
      %get3A_347 = arith.constant 3 : i32
      %get3A_348 = arith.index_cast %get3A_347 : i32 to index
      %get3A_349 = arith.index_cast %add3A_332 : i32 to index
      %get3A_350 = tpu.vector_load %arg8[%get3A_348, %get3A_349] {strides = array<i32>} : memref<4x4096xf32, #tpu.memory_space<vmem>>, vector<16xf32>,
      %add3A_351 = arith.addf %add3A_346, %get3A_350 : vector<16xf32>
      %get3A_352 = arith.constant 0 : i32
      %get3A_353 = arith.index_cast %get3A_352 : i32 to index
      %get3A_354 = arith.index_cast %add3A_332 : i32 to index
      %get3A_355 = tpu.vector_load %arg9[%get3A_353, %get3A_354] {strides = array<i32>} : memref<4x4096xf32, #tpu.memory_space<vmem>>, vector<16xf32>,
      %get3A_356 = arith.constant 1 : i32
      %get3A_357 = arith.index_cast %get3A_356 : i32 to index
      %get3A_358 = arith.index_cast %add3A_332 : i32 to index
      %get3A_359 = tpu.vector_load %arg9[%get3A_357, %get3A_358] {strides = array<i32>} : memref<4x4096xf32, #tpu.memory_space<vmem>>, vector<16xf32>,
      %add3A_360 = arith.addf %get3A_355, %get3A_359 : vector<16xf32>
      %get3A_361 = arith.constant 2 : i32
      %get3A_362 = arith.index_cast %get3A_361 : i32 to index
      %get3A_363 = arith.index_cast %add3A_332 : i32 to index
      %get3A_364 = tpu.vector_load %arg9[%get3A_362, %get3A_363] {strides = array<i32>} : memref<4x4096xf32, #tpu.memory_space<vmem>>, vector<16xf32>,
      %add3A_365 = arith.addf %add3A_360, %get3A_364 : vector<16xf32>
      %get3A_366 = arith.constant 3 : i32
      %get3A_367 = arith.index_cast %get3A_366 : i32 to index
      %get3A_368 = arith.index_cast %add3A_332 : i32 to index
      %get3A_369 = tpu.vector_load %arg9[%get3A_367, %get3A_368] {strides = array<i32>} : memref<4x4096xf32, #tpu.memory_space<vmem>>, vector<16xf32>,
      %add3A_370 = arith.addf %add3A_365, %get3A_369 : vector<16xf32>
      %div3A_371 = arith.divf %add3A_351, %add3A_370 : vector<16xf32>
      %swap3A_372 = arith.index_cast %add3A_332 : i32 to index
      %swap3A_373 = tpu.vector_load %arg7[%swap3A_372] {strides = array<i32>} : memref<4096xf32, #tpu.memory_space<vmem>>, vector<16xf32>,
      tpu.vector_store %arg7[%swap3A_372], %div3A_371 {strides = array<i32>} : memref<4096xf32, #tpu.memory_space<vmem>>, vector<16xf32>,
      %mul3A_374 = arith.constant 128 : i32
      %mul3A_375 = arith.muli %scan3A_150, %mul3A_374 : i32
      %add3A_376 = arith.constant 80 : i32
      %add3A_377 = arith.addi %mul3A_375, %add3A_376 : i32
      %get3A_378 = arith.constant 0 : i32
      %get3A_379 = arith.index_cast %get3A_378 : i32 to index
      %get3A_380 = arith.index_cast %add3A_377 : i32 to index
      %get3A_381 = tpu.vector_load %arg8[%get3A_379, %get3A_380] {strides = array<i32>} : memref<4x4096xf32, #tpu.memory_space<vmem>>, vector<16xf32>,
      %get3A_382 = arith.constant 1 : i32
      %get3A_383 = arith.index_cast %get3A_382 : i32 to index
      %get3A_384 = arith.index_cast %add3A_377 : i32 to index
      %get3A_385 = tpu.vector_load %arg8[%get3A_383, %get3A_384] {strides = array<i32>} : memref<4x4096xf32, #tpu.memory_space<vmem>>, vector<16xf32>,
      %add3A_386 = arith.addf %get3A_381, %get3A_385 : vector<16xf32>
      %get3A_387 = arith.constant 2 : i32
      %get3A_388 = arith.index_cast %get3A_387 : i32 to index
      %get3A_389 = arith.index_cast %add3A_377 : i32 to index
      %get3A_390 = tpu.vector_load %arg8[%get3A_388, %get3A_389] {strides = array<i32>} : memref<4x4096xf32, #tpu.memory_space<vmem>>, vector<16xf32>,
      %add3A_391 = arith.addf %add3A_386, %get3A_390 : vector<16xf32>
      %get3A_392 = arith.constant 3 : i32
      %get3A_393 = arith.index_cast %get3A_392 : i32 to index
      %get3A_394 = arith.index_cast %add3A_377 : i32 to index
      %get3A_395 = tpu.vector_load %arg8[%get3A_393, %get3A_394] {strides = array<i32>} : memref<4x4096xf32, #tpu.memory_space<vmem>>, vector<16xf32>,
      %add3A_396 = arith.addf %add3A_391, %get3A_395 : vector<16xf32>
      %get3A_397 = arith.constant 0 : i32
      %get3A_398 = arith.index_cast %get3A_397 : i32 to index
      %get3A_399 = arith.index_cast %add3A_377 : i32 to index
      %get3A_400 = tpu.vector_load %arg9[%get3A_398, %get3A_399] {strides = array<i32>} : memref<4x4096xf32, #tpu.memory_space<vmem>>, vector<16xf32>,
      %get3A_401 = arith.constant 1 : i32
      %get3A_402 = arith.index_cast %get3A_401 : i32 to index
      %get3A_403 = arith.index_cast %add3A_377 : i32 to index
      %get3A_404 = tpu.vector_load %arg9[%get3A_402, %get3A_403] {strides = array<i32>} : memref<4x4096xf32, #tpu.memory_space<vmem>>, vector<16xf32>,
      %add3A_405 = arith.addf %get3A_400, %get3A_404 : vector<16xf32>
      %get3A_406 = arith.constant 2 : i32
      %get3A_407 = arith.index_cast %get3A_406 : i32 to index
      %get3A_408 = arith.index_cast %add3A_377 : i32 to index
      %get3A_409 = tpu.vector_load %arg9[%get3A_407, %get3A_408] {strides = array<i32>} : memref<4x4096xf32, #tpu.memory_space<vmem>>, vector<16xf32>,
      %add3A_410 = arith.addf %add3A_405, %get3A_409 : vector<16xf32>
      %get3A_411 = arith.constant 3 : i32
      %get3A_412 = arith.index_cast %get3A_411 : i32 to index
      %get3A_413 = arith.index_cast %add3A_377 : i32 to index
      %get3A_414 = tpu.vector_load %arg9[%get3A_412, %get3A_413] {strides = array<i32>} : memref<4x4096xf32, #tpu.memory_space<vmem>>, vector<16xf32>,
      %add3A_415 = arith.addf %add3A_410, %get3A_414 : vector<16xf32>
      %div3A_416 = arith.divf %add3A_396, %add3A_415 : vector<16xf32>
      %swap3A_417 = arith.index_cast %add3A_377 : i32 to index
      %swap3A_418 = tpu.vector_load %arg7[%swap3A_417] {strides = array<i32>} : memref<4096xf32, #tpu.memory_space<vmem>>, vector<16xf32>,
      tpu.vector_store %arg7[%swap3A_417], %div3A_416 {strides = array<i32>} : memref<4096xf32, #tpu.memory_space<vmem>>, vector<16xf32>,
      %mul3A_419 = arith.constant 128 : i32
      %mul3A_420 = arith.muli %scan3A_150, %mul3A_419 : i32
      %add3A_421 = arith.constant 96 : i32
      %add3A_422 = arith.addi %mul3A_420, %add3A_421 : i32
      %get3A_423 = arith.constant 0 : i32
      %get3A_424 = arith.index_cast %get3A_423 : i32 to index
      %get3A_425 = arith.index_cast %add3A_422 : i32 to index
      %get3A_426 = tpu.vector_load %arg8[%get3A_424, %get3A_425] {strides = array<i32>} : memref<4x4096xf32, #tpu.memory_space<vmem>>, vector<16xf32>,
      %get3A_427 = arith.constant 1 : i32
      %get3A_428 = arith.index_cast %get3A_427 : i32 to index
      %get3A_429 = arith.index_cast %add3A_422 : i32 to index
      %get3A_430 = tpu.vector_load %arg8[%get3A_428, %get3A_429] {strides = array<i32>} : memref<4x4096xf32, #tpu.memory_space<vmem>>, vector<16xf32>,
      %add3A_431 = arith.addf %get3A_426, %get3A_430 : vector<16xf32>
      %get3A_432 = arith.constant 2 : i32
      %get3A_433 = arith.index_cast %get3A_432 : i32 to index
      %get3A_434 = arith.index_cast %add3A_422 : i32 to index
      %get3A_435 = tpu.vector_load %arg8[%get3A_433, %get3A_434] {strides = array<i32>} : memref<4x4096xf32, #tpu.memory_space<vmem>>, vector<16xf32>,
      %add3A_436 = arith.addf %add3A_431, %get3A_435 : vector<16xf32>
      %get3A_437 = arith.constant 3 : i32
      %get3A_438 = arith.index_cast %get3A_437 : i32 to index
      %get3A_439 = arith.index_cast %add3A_422 : i32 to index
      %get3A_440 = tpu.vector_load %arg8[%get3A_438, %get3A_439] {strides = array<i32>} : memref<4x4096xf32, #tpu.memory_space<vmem>>, vector<16xf32>,
      %add3A_441 = arith.addf %add3A_436, %get3A_440 : vector<16xf32>
      %get3A_442 = arith.constant 0 : i32
      %get3A_443 = arith.index_cast %get3A_442 : i32 to index
      %get3A_444 = arith.index_cast %add3A_422 : i32 to index
      %get3A_445 = tpu.vector_load %arg9[%get3A_443, %get3A_444] {strides = array<i32>} : memref<4x4096xf32, #tpu.memory_space<vmem>>, vector<16xf32>,
      %get3A_446 = arith.constant 1 : i32
      %get3A_447 = arith.index_cast %get3A_446 : i32 to index
      %get3A_448 = arith.index_cast %add3A_422 : i32 to index
      %get3A_449 = tpu.vector_load %arg9[%get3A_447, %get3A_448] {strides = array<i32>} : memref<4x4096xf32, #tpu.memory_space<vmem>>, vector<16xf32>,
      %add3A_450 = arith.addf %get3A_445, %get3A_449 : vector<16xf32>
      %get3A_451 = arith.constant 2 : i32
      %get3A_452 = arith.index_cast %get3A_451 : i32 to index
      %get3A_453 = arith.index_cast %add3A_422 : i32 to index
      %get3A_454 = tpu.vector_load %arg9[%get3A_452, %get3A_453] {strides = array<i32>} : memref<4x4096xf32, #tpu.memory_space<vmem>>, vector<16xf32>,
      %add3A_455 = arith.addf %add3A_450, %get3A_454 : vector<16xf32>
      %get3A_456 = arith.constant 3 : i32
      %get3A_457 = arith.index_cast %get3A_456 : i32 to index
      %get3A_458 = arith.index_cast %add3A_422 : i32 to index
      %get3A_459 = tpu.vector_load %arg9[%get3A_457, %get3A_458] {strides = array<i32>} : memref<4x4096xf32, #tpu.memory_space<vmem>>, vector<16xf32>,
      %add3A_460 = arith.addf %add3A_455, %get3A_459 : vector<16xf32>
      %div3A_461 = arith.divf %add3A_441, %add3A_460 : vector<16xf32>
      %swap3A_462 = arith.index_cast %add3A_422 : i32 to index
      %swap3A_463 = tpu.vector_load %arg7[%swap3A_462] {strides = array<i32>} : memref<4096xf32, #tpu.memory_space<vmem>>, vector<16xf32>,
      tpu.vector_store %arg7[%swap3A_462], %div3A_461 {strides = array<i32>} : memref<4096xf32, #tpu.memory_space<vmem>>, vector<16xf32>,
      %mul3A_464 = arith.constant 128 : i32
      %mul3A_465 = arith.muli %scan3A_150, %mul3A_464 : i32
      %add3A_466 = arith.constant 112 : i32
      %add3A_467 = arith.addi %mul3A_465, %add3A_466 : i32
      %get3A_468 = arith.constant 0 : i32
      %get3A_469 = arith.index_cast %get3A_468 : i32 to index
      %get3A_470 = arith.index_cast %add3A_467 : i32 to index
      %get3A_471 = tpu.vector_load %arg8[%get3A_469, %get3A_470] {strides = array<i32>} : memref<4x4096xf32, #tpu.memory_space<vmem>>, vector<16xf32>,
      %get3A_472 = arith.constant 1 : i32
      %get3A_473 = arith.index_cast %get3A_472 : i32 to index
      %get3A_474 = arith.index_cast %add3A_467 : i32 to index
      %get3A_475 = tpu.vector_load %arg8[%get3A_473, %get3A_474] {strides = array<i32>} : memref<4x4096xf32, #tpu.memory_space<vmem>>, vector<16xf32>,
      %add3A_476 = arith.addf %get3A_471, %get3A_475 : vector<16xf32>
      %get3A_477 = arith.constant 2 : i32
      %get3A_478 = arith.index_cast %get3A_477 : i32 to index
      %get3A_479 = arith.index_cast %add3A_467 : i32 to index
      %get3A_480 = tpu.vector_load %arg8[%get3A_478, %get3A_479] {strides = array<i32>} : memref<4x4096xf32, #tpu.memory_space<vmem>>, vector<16xf32>,
      %add3A_481 = arith.addf %add3A_476, %get3A_480 : vector<16xf32>
      %get3A_482 = arith.constant 3 : i32
      %get3A_483 = arith.index_cast %get3A_482 : i32 to index
      %get3A_484 = arith.index_cast %add3A_467 : i32 to index
      %get3A_485 = tpu.vector_load %arg8[%get3A_483, %get3A_484] {strides = array<i32>} : memref<4x4096xf32, #tpu.memory_space<vmem>>, vector<16xf32>,
      %add3A_486 = arith.addf %add3A_481, %get3A_485 : vector<16xf32>
      %get3A_487 = arith.constant 0 : i32
      %get3A_488 = arith.index_cast %get3A_487 : i32 to index
      %get3A_489 = arith.index_cast %add3A_467 : i32 to index
      %get3A_490 = tpu.vector_load %arg9[%get3A_488, %get3A_489] {strides = array<i32>} : memref<4x4096xf32, #tpu.memory_space<vmem>>, vector<16xf32>,
      %get3A_491 = arith.constant 1 : i32
      %get3A_492 = arith.index_cast %get3A_491 : i32 to index
      %get3A_493 = arith.index_cast %add3A_467 : i32 to index
      %get3A_494 = tpu.vector_load %arg9[%get3A_492, %get3A_493] {strides = array<i32>} : memref<4x4096xf32, #tpu.memory_space<vmem>>, vector<16xf32>,
      %add3A_495 = arith.addf %get3A_490, %get3A_494 : vector<16xf32>
      %get3A_496 = arith.constant 2 : i32
      %get3A_497 = arith.index_cast %get3A_496 : i32 to index
      %get3A_498 = arith.index_cast %add3A_467 : i32 to index
      %get3A_499 = tpu.vector_load %arg9[%get3A_497, %get3A_498] {strides = array<i32>} : memref<4x4096xf32, #tpu.memory_space<vmem>>, vector<16xf32>,
      %add3A_500 = arith.addf %add3A_495, %get3A_499 : vector<16xf32>
      %get3A_501 = arith.constant 3 : i32
      %get3A_502 = arith.index_cast %get3A_501 : i32 to index
      %get3A_503 = arith.index_cast %add3A_467 : i32 to index
      %get3A_504 = tpu.vector_load %arg9[%get3A_502, %get3A_503] {strides = array<i32>} : memref<4x4096xf32, #tpu.memory_space<vmem>>, vector<16xf32>,
      %add3A_505 = arith.addf %add3A_500, %get3A_504 : vector<16xf32>
      %div3A_506 = arith.divf %add3A_486, %add3A_505 : vector<16xf32>
      %swap3A_507 = arith.index_cast %add3A_467 : i32 to index
      %swap3A_508 = tpu.vector_load %arg7[%swap3A_507] {strides = array<i32>} : memref<4096xf32, #tpu.memory_space<vmem>>, vector<16xf32>,
      tpu.vector_store %arg7[%swap3A_507], %div3A_506 {strides = array<i32>} : memref<4096xf32, #tpu.memory_space<vmem>>, vector<16xf32>,
    }
    %scan3A_109 = arith.constant 32 : i32
    %add3A_110 = arith.constant 0 : i32
    %add3A_111 = arith.addi %mul3A_32, %add3A_110 : i32
    %multiple_of3A_112 = tpu.assume_multiple %add3A_111, 32 : i32
    %dma_start3A_113 = arith.constant 0 : i32
    %dma_start3A_114 = tpu.memref_slice %arg3[%add3A, %multiple_of3A_112, %dma_start3A_113] : memref<8x2048x512xi32, #tpu.memory_space<hbm>> -> memref<1x32x512xi32, #tpu.memory_space<hbm>>
    %dma_start3A_115 = tpu.memref_squeeze %dma_start3A_114 : memref<1x32x512xi32, #tpu.memory_space<hbm>> -> memref<32x512xi32, #tpu.memory_space<hbm>>
    %dma_start3A_116 = arith.constant 0 : i32
    %dma_start3A_117 = tpu.memref_slice %arg3[%add3A, %multiple_of3A_112, %dma_start3A_116] : memref<8x2048x512xi32, #tpu.memory_space<hbm>> -> memref<1x32x512xi32, #tpu.memory_space<hbm>>
    %dma_start3A_118 = tpu.memref_squeeze %dma_start3A_117 : memref<1x32x512xi32, #tpu.memory_space<hbm>> -> memref<32x512xi32, #tpu.memory_space<hbm>>
    tpu.enqueue_dma source(%dma_start3A_118 : memref<32x512xi32, #tpu.memory_space<hbm>>) target(%arg10 : memref<32x512xi32, #tpu.memory_space<vmem>>) target_semaphore(%arg16 : memref<!tpu.dma_semaphore, #tpu.memory_space<semaphore_mem>>)
    %add3A_119 = arith.constant 32 : i32
    %add3A_120 = arith.addi %mul3A_32, %add3A_119 : i32
    %multiple_of3A_121 = tpu.assume_multiple %add3A_120, 32 : i32
    %dma_start3A_122 = arith.constant 0 : i32
    %dma_start3A_123 = tpu.memref_slice %arg3[%add3A, %multiple_of3A_121, %dma_start3A_122] : memref<8x2048x512xi32, #tpu.memory_space<hbm>> -> memref<1x32x512xi32, #tpu.memory_space<hbm>>
    %dma_start3A_124 = tpu.memref_squeeze %dma_start3A_123 : memref<1x32x512xi32, #tpu.memory_space<hbm>> -> memref<32x512xi32, #tpu.memory_space<hbm>>
    %dma_start3A_125 = arith.constant 0 : i32
    %dma_start3A_126 = tpu.memref_slice %arg3[%add3A, %multiple_of3A_121, %dma_start3A_125] : memref<8x2048x512xi32, #tpu.memory_space<hbm>> -> memref<1x32x512xi32, #tpu.memory_space<hbm>>
    %dma_start3A_127 = tpu.memref_squeeze %dma_start3A_126 : memref<1x32x512xi32, #tpu.memory_space<hbm>> -> memref<32x512xi32, #tpu.memory_space<hbm>>
    tpu.enqueue_dma source(%dma_start3A_127 : memref<32x512xi32, #tpu.memory_space<hbm>>) target(%arg11 : memref<32x512xi32, #tpu.memory_space<vmem>>) target_semaphore(%arg17 : memref<!tpu.dma_semaphore, #tpu.memory_space<semaphore_mem>>)
    %scan3A_128 = arith.constant 0 : i32
    %scan3A_129 = arith.constant 8 : i32
    %scan3A_130 = arith.addi %scan3A_128, %scan3A_129 : i32
    %scan3A_131 = arith.constant 1 : i32
    scf.for %scan3A_150 = %scan3A_128 to %scan3A_130 step %scan3A_131  : i32 {
      %mul3A_151 = arith.constant 2 : i32
      %mul3A_152 = arith.muli %scan3A_150, %mul3A_151 : i32
      %add3A_153 = arith.constant 0 : i32
      %add3A_154 = arith.addi %mul3A_152, %add3A_153 : i32
      %add3A_155 = arith.constant 0 : i32
      %add3A_156 = arith.addi %mul3A_32, %add3A_155 : i32
      %multiple_of3A_157 = tpu.assume_multiple %add3A_156, 32 : i32
      %dma_wait3A_158 = arith.constant 0 : i32
      %dma_wait3A_159 = tpu.memref_slice %arg3[%add3A, %multiple_of3A_157, %dma_wait3A_158] : memref<8x2048x512xi32, #tpu.memory_space<hbm>> -> memref<1x32x512xi32, #tpu.memory_space<hbm>>
      %dma_wait3A_160 = tpu.memref_squeeze %dma_wait3A_159 : memref<1x32x512xi32, #tpu.memory_space<hbm>> -> memref<32x512xi32, #tpu.memory_space<hbm>>
      %dma_wait3A_161 = arith.constant 0 : i32
      %dma_wait3A_162 = tpu.memref_slice %arg3[%add3A, %multiple_of3A_157, %dma_wait3A_161] : memref<8x2048x512xi32, #tpu.memory_space<hbm>> -> memref<1x32x512xi32, #tpu.memory_space<hbm>>
      %dma_wait3A_163 = tpu.memref_squeeze %dma_wait3A_162 : memref<1x32x512xi32, #tpu.memory_space<hbm>> -> memref<32x512xi32, #tpu.memory_space<hbm>>
      tpu.wait_dma2 semaphore(%arg16 : memref<!tpu.dma_semaphore, #tpu.memory_space<semaphore_mem>>) src(%dma_wait3A_163 : memref<32x512xi32, #tpu.memory_space<hbm>>) dst(%arg10 : memref<32x512xi32, #tpu.memory_space<vmem>>)
      %ge3A = arith.constant 2 : i32
      %ge3A_164 = arith.cmpi sge, %add3A_154, %ge3A : i32
      %convert_element_type3A = arith.extui %ge3A_164 : i1 to i32
      %cond3A = arith.constant 0 : i32
      %cond3A_165 = arith.cmpi ne, %convert_element_type3A, %cond3A : i32
      scf.if %cond3A_165 {
        %add3A_228 = arith.constant 0 : i32
        %add3A_229 = arith.addi %mul3A_32, %add3A_228 : i32
        %multiple_of3A_230 = tpu.assume_multiple %add3A_229, 32 : i32
        %dma_wait3A_231 = arith.constant 0 : i32
        %dma_wait3A_232 = tpu.memref_slice %arg4[%add3A, %multiple_of3A_230, %dma_wait3A_231] : memref<8x2048x512xf32, #tpu.memory_space<hbm>> -> memref<1x32x512xf32, #tpu.memory_space<hbm>>
        %dma_wait3A_233 = tpu.memref_squeeze %dma_wait3A_232 : memref<1x32x512xf32, #tpu.memory_space<hbm>> -> memref<32x512xf32, #tpu.memory_space<hbm>>
        %dma_wait3A_234 = arith.constant 0 : i32
        %dma_wait3A_235 = tpu.memref_slice %arg4[%add3A, %multiple_of3A_230, %dma_wait3A_234] : memref<8x2048x512xf32, #tpu.memory_space<hbm>> -> memref<1x32x512xf32, #tpu.memory_space<hbm>>
        %dma_wait3A_236 = tpu.memref_squeeze %dma_wait3A_235 : memref<1x32x512xf32, #tpu.memory_space<hbm>> -> memref<32x512xf32, #tpu.memory_space<hbm>>
        tpu.wait_dma2 semaphore(%arg18 : memref<!tpu.dma_semaphore, #tpu.memory_space<semaphore_mem>>) src(%arg12 : memref<32x512xf32, #tpu.memory_space<vmem>>) dst(%dma_wait3A_236 : memref<32x512xf32, #tpu.memory_space<hbm>>)
      } else {
      }
      %scan3A_166 = arith.constant 0 : i32
      %scan3A_167 = arith.constant 128 : i32
      %scan3A_168 = arith.addi %scan3A_166, %scan3A_167 : i32
      %scan3A_169 = arith.constant 1 : i32
      scf.for %scan3A_228 = %scan3A_166 to %scan3A_168 step %scan3A_169  : i32 {
        %jit3A_229 = arith.constant 4 : i32
        %div3A_230 = arith.divsi %scan3A_228, %jit3A_229 : i32
        %sign3A_231 = arith.constant 0 : i32
        %sign3A_232 = arith.cmpi sgt, %scan3A_228, %sign3A_231 : i32
        %sign3A_233 = arith.extui %sign3A_232 : i1 to i32
        %sign3A_234 = arith.constant 0 : i32
        %sign3A_235 = arith.cmpi slt, %scan3A_228, %sign3A_234 : i32
        %sign3A_236 = arith.extui %sign3A_235 : i1 to i32
        %sign3A_237 = arith.subi %sign3A_233, %sign3A_236 : i32
        %sign3A_238 = arith.constant 0 : i32
        %sign3A_239 = arith.cmpi sgt, %jit3A_229, %sign3A_238 : i32
        %sign3A_240 = arith.extui %sign3A_239 : i1 to i32
        %sign3A_241 = arith.constant 0 : i32
        %sign3A_242 = arith.cmpi slt, %jit3A_229, %sign3A_241 : i32
        %sign3A_243 = arith.extui %sign3A_242 : i1 to i32
        %sign3A_244 = arith.subi %sign3A_240, %sign3A_243 : i32
        %ne3A_245 = arith.cmpi ne, %sign3A_237, %sign3A_244 : i32
        %rem3A_246 = arith.remsi %scan3A_228, %jit3A_229 : i32
        %ne3A_247 = arith.constant 0 : i32
        %ne3A_248 = arith.cmpi ne, %rem3A_246, %ne3A_247 : i32
        %and3A_249 = arith.andi %ne3A_245, %ne3A_248 : i1
        %sub3A_250 = arith.constant 1 : i32
        %sub3A_251 = arith.subi %div3A_230, %sub3A_250 : i32
        %select_n3A_252 = arith.select %and3A_249, %sub3A_251, %div3A_230 : i32
        %jit3A_253 = arith.constant 4 : i32
        %eq3A_254 = arith.constant 0 : i32
        %eq3A_255 = arith.cmpi eq, %jit3A_253, %eq3A_254 : i32
        %jit3A_256 = arith.constant 1 : i32
        %select_n3A_257 = arith.select %eq3A_255, %jit3A_256, %jit3A_253 : i32
        %rem3A_258 = arith.remsi %scan3A_228, %select_n3A_257 : i32
        %ne3A_259 = arith.constant 0 : i32
        %ne3A_260 = arith.cmpi ne, %rem3A_258, %ne3A_259 : i32
        %lt3A_261 = arith.constant 0 : i32
        %lt3A_262 = arith.cmpi slt, %rem3A_258, %lt3A_261 : i32
        %lt3A_263 = arith.constant 0 : i32
        %lt3A_264 = arith.cmpi slt, %select_n3A_257, %lt3A_263 : i32
        %ne3A_265 = arith.xori %lt3A_262, %lt3A_264 : i1
        %and3A_266 = arith.andi %ne3A_265, %ne3A_260 : i1
        %add3A_267 = arith.addi %rem3A_258, %select_n3A_257 : i32
        %select_n3A_268 = arith.select %and3A_266, %add3A_267, %rem3A_258 : i32
        %mul3A_269 = arith.constant 128 : i32
        %mul3A_270 = arith.muli %select_n3A_268, %mul3A_269 : i32
        %add3A_271 = arith.constant 0 : i32
        %add3A_272 = arith.addi %mul3A_270, %add3A_271 : i32
        %get3A = arith.index_cast %select_n3A_252 : i32 to index
        %get3A_273 = arith.index_cast %add3A_272 : i32 to index
        %get3A_274 = tpu.vector_load %arg10[%get3A, %get3A_273] {strides = array<i32>} : memref<32x512xi32, #tpu.memory_space<vmem>>, vector<16xi32>,
        %add3A_275 = arith.constant 16 : i32
        %add3A_276 = arith.addi %mul3A_270, %add3A_275 : i32
        %get3A_277 = arith.index_cast %select_n3A_252 : i32 to index
        %get3A_278 = arith.index_cast %add3A_276 : i32 to index
        %get3A_279 = tpu.vector_load %arg10[%get3A_277, %get3A_278] {strides = array<i32>} : memref<32x512xi32, #tpu.memory_space<vmem>>, vector<16xi32>,
        %add3A_280 = arith.constant 32 : i32
        %add3A_281 = arith.addi %mul3A_270, %add3A_280 : i32
        %get3A_282 = arith.index_cast %select_n3A_252 : i32 to index
        %get3A_283 = arith.index_cast %add3A_281 : i32 to index
        %get3A_284 = tpu.vector_load %arg10[%get3A_282, %get3A_283] {strides = array<i32>} : memref<32x512xi32, #tpu.memory_space<vmem>>, vector<16xi32>,
        %add3A_285 = arith.constant 48 : i32
        %add3A_286 = arith.addi %mul3A_270, %add3A_285 : i32
        %get3A_287 = arith.index_cast %select_n3A_252 : i32 to index
        %get3A_288 = arith.index_cast %add3A_286 : i32 to index
        %get3A_289 = tpu.vector_load %arg10[%get3A_287, %get3A_288] {strides = array<i32>} : memref<32x512xi32, #tpu.memory_space<vmem>>, vector<16xi32>,
        %add3A_290 = arith.constant 64 : i32
        %add3A_291 = arith.addi %mul3A_270, %add3A_290 : i32
        %get3A_292 = arith.index_cast %select_n3A_252 : i32 to index
        %get3A_293 = arith.index_cast %add3A_291 : i32 to index
        %get3A_294 = tpu.vector_load %arg10[%get3A_292, %get3A_293] {strides = array<i32>} : memref<32x512xi32, #tpu.memory_space<vmem>>, vector<16xi32>,
        %add3A_295 = arith.constant 80 : i32
        %add3A_296 = arith.addi %mul3A_270, %add3A_295 : i32
        %get3A_297 = arith.index_cast %select_n3A_252 : i32 to index
        %get3A_298 = arith.index_cast %add3A_296 : i32 to index
        %get3A_299 = tpu.vector_load %arg10[%get3A_297, %get3A_298] {strides = array<i32>} : memref<32x512xi32, #tpu.memory_space<vmem>>, vector<16xi32>,
        %add3A_300 = arith.constant 96 : i32
        %add3A_301 = arith.addi %mul3A_270, %add3A_300 : i32
        %get3A_302 = arith.index_cast %select_n3A_252 : i32 to index
        %get3A_303 = arith.index_cast %add3A_301 : i32 to index
        %get3A_304 = tpu.vector_load %arg10[%get3A_302, %get3A_303] {strides = array<i32>} : memref<32x512xi32, #tpu.memory_space<vmem>>, vector<16xi32>,
        %add3A_305 = arith.constant 112 : i32
        %add3A_306 = arith.addi %mul3A_270, %add3A_305 : i32
        %get3A_307 = arith.index_cast %select_n3A_252 : i32 to index
        %get3A_308 = arith.index_cast %add3A_306 : i32 to index
        %get3A_309 = tpu.vector_load %arg10[%get3A_307, %get3A_308] {strides = array<i32>} : memref<32x512xi32, #tpu.memory_space<vmem>>, vector<16xi32>,
        %gather3A = tpu.vector_load_idx %arg7[%get3A_274] : memref<4096xf32, #tpu.memory_space<vmem>>[vector<16xi32>], vector<16xf32>,
        %gather3A_310 = tpu.vector_load_idx %arg7[%get3A_279] : memref<4096xf32, #tpu.memory_space<vmem>>[vector<16xi32>], vector<16xf32>,
        %gather3A_311 = tpu.vector_load_idx %arg7[%get3A_284] : memref<4096xf32, #tpu.memory_space<vmem>>[vector<16xi32>], vector<16xf32>,
        %gather3A_312 = tpu.vector_load_idx %arg7[%get3A_289] : memref<4096xf32, #tpu.memory_space<vmem>>[vector<16xi32>], vector<16xf32>,
        %gather3A_313 = tpu.vector_load_idx %arg7[%get3A_294] : memref<4096xf32, #tpu.memory_space<vmem>>[vector<16xi32>], vector<16xf32>,
        %gather3A_314 = tpu.vector_load_idx %arg7[%get3A_299] : memref<4096xf32, #tpu.memory_space<vmem>>[vector<16xi32>], vector<16xf32>,
        %gather3A_315 = tpu.vector_load_idx %arg7[%get3A_304] : memref<4096xf32, #tpu.memory_space<vmem>>[vector<16xi32>], vector<16xf32>,
        %gather3A_316 = tpu.vector_load_idx %arg7[%get3A_309] : memref<4096xf32, #tpu.memory_space<vmem>>[vector<16xi32>], vector<16xf32>,
        %add3A_317 = arith.constant 0 : i32
        %add3A_318 = arith.addi %mul3A_270, %add3A_317 : i32
        %swap3A = arith.index_cast %select_n3A_252 : i32 to index
        %swap3A_319 = arith.index_cast %add3A_318 : i32 to index
        %swap3A_320 = tpu.vector_load %arg12[%swap3A, %swap3A_319] {strides = array<i32>} : memref<32x512xf32, #tpu.memory_space<vmem>>, vector<16xf32>,
        tpu.vector_store %arg12[%swap3A, %swap3A_319], %gather3A {strides = array<i32>} : memref<32x512xf32, #tpu.memory_space<vmem>>, vector<16xf32>,
        %add3A_321 = arith.constant 16 : i32
        %add3A_322 = arith.addi %mul3A_270, %add3A_321 : i32
        %swap3A_323 = arith.index_cast %select_n3A_252 : i32 to index
        %swap3A_324 = arith.index_cast %add3A_322 : i32 to index
        %swap3A_325 = tpu.vector_load %arg12[%swap3A_323, %swap3A_324] {strides = array<i32>} : memref<32x512xf32, #tpu.memory_space<vmem>>, vector<16xf32>,
        tpu.vector_store %arg12[%swap3A_323, %swap3A_324], %gather3A_310 {strides = array<i32>} : memref<32x512xf32, #tpu.memory_space<vmem>>, vector<16xf32>,
        %add3A_326 = arith.constant 32 : i32
        %add3A_327 = arith.addi %mul3A_270, %add3A_326 : i32
        %swap3A_328 = arith.index_cast %select_n3A_252 : i32 to index
        %swap3A_329 = arith.index_cast %add3A_327 : i32 to index
        %swap3A_330 = tpu.vector_load %arg12[%swap3A_328, %swap3A_329] {strides = array<i32>} : memref<32x512xf32, #tpu.memory_space<vmem>>, vector<16xf32>,
        tpu.vector_store %arg12[%swap3A_328, %swap3A_329], %gather3A_311 {strides = array<i32>} : memref<32x512xf32, #tpu.memory_space<vmem>>, vector<16xf32>,
        %add3A_331 = arith.constant 48 : i32
        %add3A_332 = arith.addi %mul3A_270, %add3A_331 : i32
        %swap3A_333 = arith.index_cast %select_n3A_252 : i32 to index
        %swap3A_334 = arith.index_cast %add3A_332 : i32 to index
        %swap3A_335 = tpu.vector_load %arg12[%swap3A_333, %swap3A_334] {strides = array<i32>} : memref<32x512xf32, #tpu.memory_space<vmem>>, vector<16xf32>,
        tpu.vector_store %arg12[%swap3A_333, %swap3A_334], %gather3A_312 {strides = array<i32>} : memref<32x512xf32, #tpu.memory_space<vmem>>, vector<16xf32>,
        %add3A_336 = arith.constant 64 : i32
        %add3A_337 = arith.addi %mul3A_270, %add3A_336 : i32
        %swap3A_338 = arith.index_cast %select_n3A_252 : i32 to index
        %swap3A_339 = arith.index_cast %add3A_337 : i32 to index
        %swap3A_340 = tpu.vector_load %arg12[%swap3A_338, %swap3A_339] {strides = array<i32>} : memref<32x512xf32, #tpu.memory_space<vmem>>, vector<16xf32>,
        tpu.vector_store %arg12[%swap3A_338, %swap3A_339], %gather3A_313 {strides = array<i32>} : memref<32x512xf32, #tpu.memory_space<vmem>>, vector<16xf32>,
        %add3A_341 = arith.constant 80 : i32
        %add3A_342 = arith.addi %mul3A_270, %add3A_341 : i32
        %swap3A_343 = arith.index_cast %select_n3A_252 : i32 to index
        %swap3A_344 = arith.index_cast %add3A_342 : i32 to index
        %swap3A_345 = tpu.vector_load %arg12[%swap3A_343, %swap3A_344] {strides = array<i32>} : memref<32x512xf32, #tpu.memory_space<vmem>>, vector<16xf32>,
        tpu.vector_store %arg12[%swap3A_343, %swap3A_344], %gather3A_314 {strides = array<i32>} : memref<32x512xf32, #tpu.memory_space<vmem>>, vector<16xf32>,
        %add3A_346 = arith.constant 96 : i32
        %add3A_347 = arith.addi %mul3A_270, %add3A_346 : i32
        %swap3A_348 = arith.index_cast %select_n3A_252 : i32 to index
        %swap3A_349 = arith.index_cast %add3A_347 : i32 to index
        %swap3A_350 = tpu.vector_load %arg12[%swap3A_348, %swap3A_349] {strides = array<i32>} : memref<32x512xf32, #tpu.memory_space<vmem>>, vector<16xf32>,
        tpu.vector_store %arg12[%swap3A_348, %swap3A_349], %gather3A_315 {strides = array<i32>} : memref<32x512xf32, #tpu.memory_space<vmem>>, vector<16xf32>,
        %add3A_351 = arith.constant 112 : i32
        %add3A_352 = arith.addi %mul3A_270, %add3A_351 : i32
        %swap3A_353 = arith.index_cast %select_n3A_252 : i32 to index
        %swap3A_354 = arith.index_cast %add3A_352 : i32 to index
        %swap3A_355 = tpu.vector_load %arg12[%swap3A_353, %swap3A_354] {strides = array<i32>} : memref<32x512xf32, #tpu.memory_space<vmem>>, vector<16xf32>,
        tpu.vector_store %arg12[%swap3A_353, %swap3A_354], %gather3A_316 {strides = array<i32>} : memref<32x512xf32, #tpu.memory_space<vmem>>, vector<16xf32>,
      }
      %scan3A_170 = arith.constant 128 : i32
      %mul3A_171 = arith.constant 32 : i32
      %mul3A_172 = arith.muli %add3A_154, %mul3A_171 : i32
      %add3A_173 = arith.addi %mul3A_32, %mul3A_172 : i32
      %multiple_of3A_174 = tpu.assume_multiple %add3A_173, 32 : i32
      %dma_start3A_175 = arith.constant 0 : i32
      %dma_start3A_176 = tpu.memref_slice %arg4[%add3A, %multiple_of3A_174, %dma_start3A_175] : memref<8x2048x512xf32, #tpu.memory_space<hbm>> -> memref<1x32x512xf32, #tpu.memory_space<hbm>>
      %dma_start3A_177 = tpu.memref_squeeze %dma_start3A_176 : memref<1x32x512xf32, #tpu.memory_space<hbm>> -> memref<32x512xf32, #tpu.memory_space<hbm>>
      %dma_start3A_178 = arith.constant 0 : i32
      %dma_start3A_179 = tpu.memref_slice %arg4[%add3A, %multiple_of3A_174, %dma_start3A_178] : memref<8x2048x512xf32, #tpu.memory_space<hbm>> -> memref<1x32x512xf32, #tpu.memory_space<hbm>>
      %dma_start3A_180 = tpu.memref_squeeze %dma_start3A_179 : memref<1x32x512xf32, #tpu.memory_space<hbm>> -> memref<32x512xf32, #tpu.memory_space<hbm>>
      tpu.enqueue_dma source(%arg12 : memref<32x512xf32, #tpu.memory_space<vmem>>) target(%dma_start3A_180 : memref<32x512xf32, #tpu.memory_space<hbm>>) target_semaphore(%arg18 : memref<!tpu.dma_semaphore, #tpu.memory_space<semaphore_mem>>)
      %add3A_181 = arith.constant 2 : i32
      %add3A_182 = arith.addi %add3A_154, %add3A_181 : i32
      %lt3A_183 = arith.constant 16 : i32
      %lt3A_184 = arith.cmpi slt, %add3A_182, %lt3A_183 : i32
      %convert_element_type3A_185 = arith.extui %lt3A_184 : i1 to i32
      %cond3A_186 = arith.constant 0 : i32
      %cond3A_187 = arith.cmpi ne, %convert_element_type3A_185, %cond3A_186 : i32
      scf.if %cond3A_187 {
        %mul3A_228 = arith.constant 32 : i32
        %mul3A_229 = arith.muli %add3A_182, %mul3A_228 : i32
        %add3A_230 = arith.addi %mul3A_32, %mul3A_229 : i32
        %multiple_of3A_231 = tpu.assume_multiple %add3A_230, 32 : i32
        %dma_start3A_232 = arith.constant 0 : i32
        %dma_start3A_233 = tpu.memref_slice %arg3[%add3A, %multiple_of3A_231, %dma_start3A_232] : memref<8x2048x512xi32, #tpu.memory_space<hbm>> -> memref<1x32x512xi32, #tpu.memory_space<hbm>>
        %dma_start3A_234 = tpu.memref_squeeze %dma_start3A_233 : memref<1x32x512xi32, #tpu.memory_space<hbm>> -> memref<32x512xi32, #tpu.memory_space<hbm>>
        %dma_start3A_235 = arith.constant 0 : i32
        %dma_start3A_236 = tpu.memref_slice %arg3[%add3A, %multiple_of3A_231, %dma_start3A_235] : memref<8x2048x512xi32, #tpu.memory_space<hbm>> -> memref<1x32x512xi32, #tpu.memory_space<hbm>>
        %dma_start3A_237 = tpu.memref_squeeze %dma_start3A_236 : memref<1x32x512xi32, #tpu.memory_space<hbm>> -> memref<32x512xi32, #tpu.memory_space<hbm>>
        tpu.enqueue_dma source(%dma_start3A_237 : memref<32x512xi32, #tpu.memory_space<hbm>>) target(%arg10 : memref<32x512xi32, #tpu.memory_space<vmem>>) target_semaphore(%arg16 : memref<!tpu.dma_semaphore, #tpu.memory_space<semaphore_mem>>)
      } else {
      }
      %mul3A_188 = arith.constant 2 : i32
      %mul3A_189 = arith.muli %scan3A_150, %mul3A_188 : i32
      %add3A_190 = arith.constant 1 : i32
      %add3A_191 = arith.addi %mul3A_189, %add3A_190 : i32
      %add3A_192 = arith.constant 0 : i32
      %add3A_193 = arith.addi %mul3A_32, %add3A_192 : i32
      %multiple_of3A_194 = tpu.assume_multiple %add3A_193, 32 : i32
      %dma_wait3A_195 = arith.constant 0 : i32
      %dma_wait3A_196 = tpu.memref_slice %arg3[%add3A, %multiple_of3A_194, %dma_wait3A_195] : memref<8x2048x512xi32, #tpu.memory_space<hbm>> -> memref<1x32x512xi32, #tpu.memory_space<hbm>>
      %dma_wait3A_197 = tpu.memref_squeeze %dma_wait3A_196 : memref<1x32x512xi32, #tpu.memory_space<hbm>> -> memref<32x512xi32, #tpu.memory_space<hbm>>
      %dma_wait3A_198 = arith.constant 0 : i32
      %dma_wait3A_199 = tpu.memref_slice %arg3[%add3A, %multiple_of3A_194, %dma_wait3A_198] : memref<8x2048x512xi32, #tpu.memory_space<hbm>> -> memref<1x32x512xi32, #tpu.memory_space<hbm>>
      %dma_wait3A_200 = tpu.memref_squeeze %dma_wait3A_199 : memref<1x32x512xi32, #tpu.memory_space<hbm>> -> memref<32x512xi32, #tpu.memory_space<hbm>>
      tpu.wait_dma2 semaphore(%arg17 : memref<!tpu.dma_semaphore, #tpu.memory_space<semaphore_mem>>) src(%dma_wait3A_200 : memref<32x512xi32, #tpu.memory_space<hbm>>) dst(%arg11 : memref<32x512xi32, #tpu.memory_space<vmem>>)
      %ge3A_201 = arith.constant 2 : i32
      %ge3A_202 = arith.cmpi sge, %add3A_191, %ge3A_201 : i32
      %convert_element_type3A_203 = arith.extui %ge3A_202 : i1 to i32
      %cond3A_204 = arith.constant 0 : i32
      %cond3A_205 = arith.cmpi ne, %convert_element_type3A_203, %cond3A_204 : i32
      scf.if %cond3A_205 {
        %add3A_228 = arith.constant 0 : i32
        %add3A_229 = arith.addi %mul3A_32, %add3A_228 : i32
        %multiple_of3A_230 = tpu.assume_multiple %add3A_229, 32 : i32
        %dma_wait3A_231 = arith.constant 0 : i32
        %dma_wait3A_232 = tpu.memref_slice %arg4[%add3A, %multiple_of3A_230, %dma_wait3A_231] : memref<8x2048x512xf32, #tpu.memory_space<hbm>> -> memref<1x32x512xf32, #tpu.memory_space<hbm>>
        %dma_wait3A_233 = tpu.memref_squeeze %dma_wait3A_232 : memref<1x32x512xf32, #tpu.memory_space<hbm>> -> memref<32x512xf32, #tpu.memory_space<hbm>>
        %dma_wait3A_234 = arith.constant 0 : i32
        %dma_wait3A_235 = tpu.memref_slice %arg4[%add3A, %multiple_of3A_230, %dma_wait3A_234] : memref<8x2048x512xf32, #tpu.memory_space<hbm>> -> memref<1x32x512xf32, #tpu.memory_space<hbm>>
        %dma_wait3A_236 = tpu.memref_squeeze %dma_wait3A_235 : memref<1x32x512xf32, #tpu.memory_space<hbm>> -> memref<32x512xf32, #tpu.memory_space<hbm>>
        tpu.wait_dma2 semaphore(%arg19 : memref<!tpu.dma_semaphore, #tpu.memory_space<semaphore_mem>>) src(%arg13 : memref<32x512xf32, #tpu.memory_space<vmem>>) dst(%dma_wait3A_236 : memref<32x512xf32, #tpu.memory_space<hbm>>)
      } else {
      }
      %scan3A_206 = arith.constant 0 : i32
      %scan3A_207 = arith.constant 128 : i32
      %scan3A_208 = arith.addi %scan3A_206, %scan3A_207 : i32
      %scan3A_209 = arith.constant 1 : i32
      scf.for %scan3A_228 = %scan3A_206 to %scan3A_208 step %scan3A_209  : i32 {
        %jit3A_229 = arith.constant 4 : i32
        %div3A_230 = arith.divsi %scan3A_228, %jit3A_229 : i32
        %sign3A_231 = arith.constant 0 : i32
        %sign3A_232 = arith.cmpi sgt, %scan3A_228, %sign3A_231 : i32
        %sign3A_233 = arith.extui %sign3A_232 : i1 to i32
        %sign3A_234 = arith.constant 0 : i32
        %sign3A_235 = arith.cmpi slt, %scan3A_228, %sign3A_234 : i32
        %sign3A_236 = arith.extui %sign3A_235 : i1 to i32
        %sign3A_237 = arith.subi %sign3A_233, %sign3A_236 : i32
        %sign3A_238 = arith.constant 0 : i32
        %sign3A_239 = arith.cmpi sgt, %jit3A_229, %sign3A_238 : i32
        %sign3A_240 = arith.extui %sign3A_239 : i1 to i32
        %sign3A_241 = arith.constant 0 : i32
        %sign3A_242 = arith.cmpi slt, %jit3A_229, %sign3A_241 : i32
        %sign3A_243 = arith.extui %sign3A_242 : i1 to i32
        %sign3A_244 = arith.subi %sign3A_240, %sign3A_243 : i32
        %ne3A_245 = arith.cmpi ne, %sign3A_237, %sign3A_244 : i32
        %rem3A_246 = arith.remsi %scan3A_228, %jit3A_229 : i32
        %ne3A_247 = arith.constant 0 : i32
        %ne3A_248 = arith.cmpi ne, %rem3A_246, %ne3A_247 : i32
        %and3A_249 = arith.andi %ne3A_245, %ne3A_248 : i1
        %sub3A_250 = arith.constant 1 : i32
        %sub3A_251 = arith.subi %div3A_230, %sub3A_250 : i32
        %select_n3A_252 = arith.select %and3A_249, %sub3A_251, %div3A_230 : i32
        %jit3A_253 = arith.constant 4 : i32
        %eq3A_254 = arith.constant 0 : i32
        %eq3A_255 = arith.cmpi eq, %jit3A_253, %eq3A_254 : i32
        %jit3A_256 = arith.constant 1 : i32
        %select_n3A_257 = arith.select %eq3A_255, %jit3A_256, %jit3A_253 : i32
        %rem3A_258 = arith.remsi %scan3A_228, %select_n3A_257 : i32
        %ne3A_259 = arith.constant 0 : i32
        %ne3A_260 = arith.cmpi ne, %rem3A_258, %ne3A_259 : i32
        %lt3A_261 = arith.constant 0 : i32
        %lt3A_262 = arith.cmpi slt, %rem3A_258, %lt3A_261 : i32
        %lt3A_263 = arith.constant 0 : i32
        %lt3A_264 = arith.cmpi slt, %select_n3A_257, %lt3A_263 : i32
        %ne3A_265 = arith.xori %lt3A_262, %lt3A_264 : i1
        %and3A_266 = arith.andi %ne3A_265, %ne3A_260 : i1
        %add3A_267 = arith.addi %rem3A_258, %select_n3A_257 : i32
        %select_n3A_268 = arith.select %and3A_266, %add3A_267, %rem3A_258 : i32
        %mul3A_269 = arith.constant 128 : i32
        %mul3A_270 = arith.muli %select_n3A_268, %mul3A_269 : i32
        %add3A_271 = arith.constant 0 : i32
        %add3A_272 = arith.addi %mul3A_270, %add3A_271 : i32
        %get3A = arith.index_cast %select_n3A_252 : i32 to index
        %get3A_273 = arith.index_cast %add3A_272 : i32 to index
        %get3A_274 = tpu.vector_load %arg11[%get3A, %get3A_273] {strides = array<i32>} : memref<32x512xi32, #tpu.memory_space<vmem>>, vector<16xi32>,
        %add3A_275 = arith.constant 16 : i32
        %add3A_276 = arith.addi %mul3A_270, %add3A_275 : i32
        %get3A_277 = arith.index_cast %select_n3A_252 : i32 to index
        %get3A_278 = arith.index_cast %add3A_276 : i32 to index
        %get3A_279 = tpu.vector_load %arg11[%get3A_277, %get3A_278] {strides = array<i32>} : memref<32x512xi32, #tpu.memory_space<vmem>>, vector<16xi32>,
        %add3A_280 = arith.constant 32 : i32
        %add3A_281 = arith.addi %mul3A_270, %add3A_280 : i32
        %get3A_282 = arith.index_cast %select_n3A_252 : i32 to index
        %get3A_283 = arith.index_cast %add3A_281 : i32 to index
        %get3A_284 = tpu.vector_load %arg11[%get3A_282, %get3A_283] {strides = array<i32>} : memref<32x512xi32, #tpu.memory_space<vmem>>, vector<16xi32>,
        %add3A_285 = arith.constant 48 : i32
        %add3A_286 = arith.addi %mul3A_270, %add3A_285 : i32
        %get3A_287 = arith.index_cast %select_n3A_252 : i32 to index
        %get3A_288 = arith.index_cast %add3A_286 : i32 to index
        %get3A_289 = tpu.vector_load %arg11[%get3A_287, %get3A_288] {strides = array<i32>} : memref<32x512xi32, #tpu.memory_space<vmem>>, vector<16xi32>,
        %add3A_290 = arith.constant 64 : i32
        %add3A_291 = arith.addi %mul3A_270, %add3A_290 : i32
        %get3A_292 = arith.index_cast %select_n3A_252 : i32 to index
        %get3A_293 = arith.index_cast %add3A_291 : i32 to index
        %get3A_294 = tpu.vector_load %arg11[%get3A_292, %get3A_293] {strides = array<i32>} : memref<32x512xi32, #tpu.memory_space<vmem>>, vector<16xi32>,
        %add3A_295 = arith.constant 80 : i32
        %add3A_296 = arith.addi %mul3A_270, %add3A_295 : i32
        %get3A_297 = arith.index_cast %select_n3A_252 : i32 to index
        %get3A_298 = arith.index_cast %add3A_296 : i32 to index
        %get3A_299 = tpu.vector_load %arg11[%get3A_297, %get3A_298] {strides = array<i32>} : memref<32x512xi32, #tpu.memory_space<vmem>>, vector<16xi32>,
        %add3A_300 = arith.constant 96 : i32
        %add3A_301 = arith.addi %mul3A_270, %add3A_300 : i32
        %get3A_302 = arith.index_cast %select_n3A_252 : i32 to index
        %get3A_303 = arith.index_cast %add3A_301 : i32 to index
        %get3A_304 = tpu.vector_load %arg11[%get3A_302, %get3A_303] {strides = array<i32>} : memref<32x512xi32, #tpu.memory_space<vmem>>, vector<16xi32>,
        %add3A_305 = arith.constant 112 : i32
        %add3A_306 = arith.addi %mul3A_270, %add3A_305 : i32
        %get3A_307 = arith.index_cast %select_n3A_252 : i32 to index
        %get3A_308 = arith.index_cast %add3A_306 : i32 to index
        %get3A_309 = tpu.vector_load %arg11[%get3A_307, %get3A_308] {strides = array<i32>} : memref<32x512xi32, #tpu.memory_space<vmem>>, vector<16xi32>,
        %gather3A = tpu.vector_load_idx %arg7[%get3A_274] : memref<4096xf32, #tpu.memory_space<vmem>>[vector<16xi32>], vector<16xf32>,
        %gather3A_310 = tpu.vector_load_idx %arg7[%get3A_279] : memref<4096xf32, #tpu.memory_space<vmem>>[vector<16xi32>], vector<16xf32>,
        %gather3A_311 = tpu.vector_load_idx %arg7[%get3A_284] : memref<4096xf32, #tpu.memory_space<vmem>>[vector<16xi32>], vector<16xf32>,
        %gather3A_312 = tpu.vector_load_idx %arg7[%get3A_289] : memref<4096xf32, #tpu.memory_space<vmem>>[vector<16xi32>], vector<16xf32>,
        %gather3A_313 = tpu.vector_load_idx %arg7[%get3A_294] : memref<4096xf32, #tpu.memory_space<vmem>>[vector<16xi32>], vector<16xf32>,
        %gather3A_314 = tpu.vector_load_idx %arg7[%get3A_299] : memref<4096xf32, #tpu.memory_space<vmem>>[vector<16xi32>], vector<16xf32>,
        %gather3A_315 = tpu.vector_load_idx %arg7[%get3A_304] : memref<4096xf32, #tpu.memory_space<vmem>>[vector<16xi32>], vector<16xf32>,
        %gather3A_316 = tpu.vector_load_idx %arg7[%get3A_309] : memref<4096xf32, #tpu.memory_space<vmem>>[vector<16xi32>], vector<16xf32>,
        %add3A_317 = arith.constant 0 : i32
        %add3A_318 = arith.addi %mul3A_270, %add3A_317 : i32
        %swap3A = arith.index_cast %select_n3A_252 : i32 to index
        %swap3A_319 = arith.index_cast %add3A_318 : i32 to index
        %swap3A_320 = tpu.vector_load %arg13[%swap3A, %swap3A_319] {strides = array<i32>} : memref<32x512xf32, #tpu.memory_space<vmem>>, vector<16xf32>,
        tpu.vector_store %arg13[%swap3A, %swap3A_319], %gather3A {strides = array<i32>} : memref<32x512xf32, #tpu.memory_space<vmem>>, vector<16xf32>,
        %add3A_321 = arith.constant 16 : i32
        %add3A_322 = arith.addi %mul3A_270, %add3A_321 : i32
        %swap3A_323 = arith.index_cast %select_n3A_252 : i32 to index
        %swap3A_324 = arith.index_cast %add3A_322 : i32 to index
        %swap3A_325 = tpu.vector_load %arg13[%swap3A_323, %swap3A_324] {strides = array<i32>} : memref<32x512xf32, #tpu.memory_space<vmem>>, vector<16xf32>,
        tpu.vector_store %arg13[%swap3A_323, %swap3A_324], %gather3A_310 {strides = array<i32>} : memref<32x512xf32, #tpu.memory_space<vmem>>, vector<16xf32>,
        %add3A_326 = arith.constant 32 : i32
        %add3A_327 = arith.addi %mul3A_270, %add3A_326 : i32
        %swap3A_328 = arith.index_cast %select_n3A_252 : i32 to index
        %swap3A_329 = arith.index_cast %add3A_327 : i32 to index
        %swap3A_330 = tpu.vector_load %arg13[%swap3A_328, %swap3A_329] {strides = array<i32>} : memref<32x512xf32, #tpu.memory_space<vmem>>, vector<16xf32>,
        tpu.vector_store %arg13[%swap3A_328, %swap3A_329], %gather3A_311 {strides = array<i32>} : memref<32x512xf32, #tpu.memory_space<vmem>>, vector<16xf32>,
        %add3A_331 = arith.constant 48 : i32
        %add3A_332 = arith.addi %mul3A_270, %add3A_331 : i32
        %swap3A_333 = arith.index_cast %select_n3A_252 : i32 to index
        %swap3A_334 = arith.index_cast %add3A_332 : i32 to index
        %swap3A_335 = tpu.vector_load %arg13[%swap3A_333, %swap3A_334] {strides = array<i32>} : memref<32x512xf32, #tpu.memory_space<vmem>>, vector<16xf32>,
        tpu.vector_store %arg13[%swap3A_333, %swap3A_334], %gather3A_312 {strides = array<i32>} : memref<32x512xf32, #tpu.memory_space<vmem>>, vector<16xf32>,
        %add3A_336 = arith.constant 64 : i32
        %add3A_337 = arith.addi %mul3A_270, %add3A_336 : i32
        %swap3A_338 = arith.index_cast %select_n3A_252 : i32 to index
        %swap3A_339 = arith.index_cast %add3A_337 : i32 to index
        %swap3A_340 = tpu.vector_load %arg13[%swap3A_338, %swap3A_339] {strides = array<i32>} : memref<32x512xf32, #tpu.memory_space<vmem>>, vector<16xf32>,
        tpu.vector_store %arg13[%swap3A_338, %swap3A_339], %gather3A_313 {strides = array<i32>} : memref<32x512xf32, #tpu.memory_space<vmem>>, vector<16xf32>,
        %add3A_341 = arith.constant 80 : i32
        %add3A_342 = arith.addi %mul3A_270, %add3A_341 : i32
        %swap3A_343 = arith.index_cast %select_n3A_252 : i32 to index
        %swap3A_344 = arith.index_cast %add3A_342 : i32 to index
        %swap3A_345 = tpu.vector_load %arg13[%swap3A_343, %swap3A_344] {strides = array<i32>} : memref<32x512xf32, #tpu.memory_space<vmem>>, vector<16xf32>,
        tpu.vector_store %arg13[%swap3A_343, %swap3A_344], %gather3A_314 {strides = array<i32>} : memref<32x512xf32, #tpu.memory_space<vmem>>, vector<16xf32>,
        %add3A_346 = arith.constant 96 : i32
        %add3A_347 = arith.addi %mul3A_270, %add3A_346 : i32
        %swap3A_348 = arith.index_cast %select_n3A_252 : i32 to index
        %swap3A_349 = arith.index_cast %add3A_347 : i32 to index
        %swap3A_350 = tpu.vector_load %arg13[%swap3A_348, %swap3A_349] {strides = array<i32>} : memref<32x512xf32, #tpu.memory_space<vmem>>, vector<16xf32>,
        tpu.vector_store %arg13[%swap3A_348, %swap3A_349], %gather3A_315 {strides = array<i32>} : memref<32x512xf32, #tpu.memory_space<vmem>>, vector<16xf32>,
        %add3A_351 = arith.constant 112 : i32
        %add3A_352 = arith.addi %mul3A_270, %add3A_351 : i32
        %swap3A_353 = arith.index_cast %select_n3A_252 : i32 to index
        %swap3A_354 = arith.index_cast %add3A_352 : i32 to index
        %swap3A_355 = tpu.vector_load %arg13[%swap3A_353, %swap3A_354] {strides = array<i32>} : memref<32x512xf32, #tpu.memory_space<vmem>>, vector<16xf32>,
        tpu.vector_store %arg13[%swap3A_353, %swap3A_354], %gather3A_316 {strides = array<i32>} : memref<32x512xf32, #tpu.memory_space<vmem>>, vector<16xf32>,
      }
      %scan3A_210 = arith.constant 128 : i32
      %mul3A_211 = arith.constant 32 : i32
      %mul3A_212 = arith.muli %add3A_191, %mul3A_211 : i32
      %add3A_213 = arith.addi %mul3A_32, %mul3A_212 : i32
      %multiple_of3A_214 = tpu.assume_multiple %add3A_213, 32 : i32
      %dma_start3A_215 = arith.constant 0 : i32
      %dma_start3A_216 = tpu.memref_slice %arg4[%add3A, %multiple_of3A_214, %dma_start3A_215] : memref<8x2048x512xf32, #tpu.memory_space<hbm>> -> memref<1x32x512xf32, #tpu.memory_space<hbm>>
      %dma_start3A_217 = tpu.memref_squeeze %dma_start3A_216 : memref<1x32x512xf32, #tpu.memory_space<hbm>> -> memref<32x512xf32, #tpu.memory_space<hbm>>
      %dma_start3A_218 = arith.constant 0 : i32
      %dma_start3A_219 = tpu.memref_slice %arg4[%add3A, %multiple_of3A_214, %dma_start3A_218] : memref<8x2048x512xf32, #tpu.memory_space<hbm>> -> memref<1x32x512xf32, #tpu.memory_space<hbm>>
      %dma_start3A_220 = tpu.memref_squeeze %dma_start3A_219 : memref<1x32x512xf32, #tpu.memory_space<hbm>> -> memref<32x512xf32, #tpu.memory_space<hbm>>
      tpu.enqueue_dma source(%arg13 : memref<32x512xf32, #tpu.memory_space<vmem>>) target(%dma_start3A_220 : memref<32x512xf32, #tpu.memory_space<hbm>>) target_semaphore(%arg19 : memref<!tpu.dma_semaphore, #tpu.memory_space<semaphore_mem>>)
      %add3A_221 = arith.constant 2 : i32
      %add3A_222 = arith.addi %add3A_191, %add3A_221 : i32
      %lt3A_223 = arith.constant 16 : i32
      %lt3A_224 = arith.cmpi slt, %add3A_222, %lt3A_223 : i32
      %convert_element_type3A_225 = arith.extui %lt3A_224 : i1 to i32
      %cond3A_226 = arith.constant 0 : i32
      %cond3A_227 = arith.cmpi ne, %convert_element_type3A_225, %cond3A_226 : i32
      scf.if %cond3A_227 {
        %mul3A_228 = arith.constant 32 : i32
        %mul3A_229 = arith.muli %add3A_222, %mul3A_228 : i32
        %add3A_230 = arith.addi %mul3A_32, %mul3A_229 : i32
        %multiple_of3A_231 = tpu.assume_multiple %add3A_230, 32 : i32
        %dma_start3A_232 = arith.constant 0 : i32
        %dma_start3A_233 = tpu.memref_slice %arg3[%add3A, %multiple_of3A_231, %dma_start3A_232] : memref<8x2048x512xi32, #tpu.memory_space<hbm>> -> memref<1x32x512xi32, #tpu.memory_space<hbm>>
        %dma_start3A_234 = tpu.memref_squeeze %dma_start3A_233 : memref<1x32x512xi32, #tpu.memory_space<hbm>> -> memref<32x512xi32, #tpu.memory_space<hbm>>
        %dma_start3A_235 = arith.constant 0 : i32
        %dma_start3A_236 = tpu.memref_slice %arg3[%add3A, %multiple_of3A_231, %dma_start3A_235] : memref<8x2048x512xi32, #tpu.memory_space<hbm>> -> memref<1x32x512xi32, #tpu.memory_space<hbm>>
        %dma_start3A_237 = tpu.memref_squeeze %dma_start3A_236 : memref<1x32x512xi32, #tpu.memory_space<hbm>> -> memref<32x512xi32, #tpu.memory_space<hbm>>
        tpu.enqueue_dma source(%dma_start3A_237 : memref<32x512xi32, #tpu.memory_space<hbm>>) target(%arg11 : memref<32x512xi32, #tpu.memory_space<vmem>>) target_semaphore(%arg17 : memref<!tpu.dma_semaphore, #tpu.memory_space<semaphore_mem>>)
      } else {
      }
    }
    %scan3A_132 = arith.constant 8 : i32
    %add3A_133 = arith.constant 0 : i32
    %add3A_134 = arith.addi %mul3A_32, %add3A_133 : i32
    %multiple_of3A_135 = tpu.assume_multiple %add3A_134, 32 : i32
    %dma_wait3A = arith.constant 0 : i32
    %dma_wait3A_136 = tpu.memref_slice %arg4[%add3A, %multiple_of3A_135, %dma_wait3A] : memref<8x2048x512xf32, #tpu.memory_space<hbm>> -> memref<1x32x512xf32, #tpu.memory_space<hbm>>
    %dma_wait3A_137 = tpu.memref_squeeze %dma_wait3A_136 : memref<1x32x512xf32, #tpu.memory_space<hbm>> -> memref<32x512xf32, #tpu.memory_space<hbm>>
    %dma_wait3A_138 = arith.constant 0 : i32
    %dma_wait3A_139 = tpu.memref_slice %arg4[%add3A, %multiple_of3A_135, %dma_wait3A_138] : memref<8x2048x512xf32, #tpu.memory_space<hbm>> -> memref<1x32x512xf32, #tpu.memory_space<hbm>>
    %dma_wait3A_140 = tpu.memref_squeeze %dma_wait3A_139 : memref<1x32x512xf32, #tpu.memory_space<hbm>> -> memref<32x512xf32, #tpu.memory_space<hbm>>
    tpu.wait_dma2 semaphore(%arg18 : memref<!tpu.dma_semaphore, #tpu.memory_space<semaphore_mem>>) src(%arg12 : memref<32x512xf32, #tpu.memory_space<vmem>>) dst(%dma_wait3A_140 : memref<32x512xf32, #tpu.memory_space<hbm>>)
    %add3A_141 = arith.constant 0 : i32
    %add3A_142 = arith.addi %mul3A_32, %add3A_141 : i32
    %multiple_of3A_143 = tpu.assume_multiple %add3A_142, 32 : i32
    %dma_wait3A_144 = arith.constant 0 : i32
    %dma_wait3A_145 = tpu.memref_slice %arg4[%add3A, %multiple_of3A_143, %dma_wait3A_144] : memref<8x2048x512xf32, #tpu.memory_space<hbm>> -> memref<1x32x512xf32, #tpu.memory_space<hbm>>
    %dma_wait3A_146 = tpu.memref_squeeze %dma_wait3A_145 : memref<1x32x512xf32, #tpu.memory_space<hbm>> -> memref<32x512xf32, #tpu.memory_space<hbm>>
    %dma_wait3A_147 = arith.constant 0 : i32
    %dma_wait3A_148 = tpu.memref_slice %arg4[%add3A, %multiple_of3A_143, %dma_wait3A_147] : memref<8x2048x512xf32, #tpu.memory_space<hbm>> -> memref<1x32x512xf32, #tpu.memory_space<hbm>>
    %dma_wait3A_149 = tpu.memref_squeeze %dma_wait3A_148 : memref<1x32x512xf32, #tpu.memory_space<hbm>> -> memref<32x512xf32, #tpu.memory_space<hbm>>
    tpu.wait_dma2 semaphore(%arg19 : memref<!tpu.dma_semaphore, #tpu.memory_space<semaphore_mem>>) src(%arg13 : memref<32x512xf32, #tpu.memory_space<vmem>>) dst(%dma_wait3A_149 : memref<32x512xf32, #tpu.memory_space<hbm>>)
    return
  }
}

</mosaic_0001>

<sc_bundles>
// kernel: kernel.3.cloned.1.call-start
scs
__scs_entry_jumppad:
0x0: {  	(pc) =	sbr.rel $0x88, $3  }
0x1: {  	(tag) =	ssettag $0x0;
	lr =	simm.s32 $0x1  }
0x2: {  	[smem:$0x3F9F] =	sst lr;
	_ =	strace $0xD0000000  }
0x3: {  	_ = 	snop  }
0x4: {  	_ = 	snop  }
0x5: {  	_ = 	snop  }
0x6: {  	_ = 	snop  }
0x7: {  	_ = 	snop  }
__scs_overlays_trampoline_lowered:
0x8: {  	[smem:$0x3FAE] =	sst s0  }
0x9: {  	[smem:$0x3FAF] =	sst s1  }
0xa: {  	[smem:$0x3FB0] =	sst s2  }
0xb: {  	[smem:$0x3FB1] =	sst s3  }
0xc: {  	[smem:$0x3FB2] =	sst s4  }
0xd: {  	[smem:$0x3FB3] =	sst s5  }
0xe: {  	[smem:$0x3FB4] =	sst s6  }
0xf: {  	[smem:$0x3FB5] =	sst s7  }
0x10: {  	[smem:$0x3FB6] =	sst s8  }
0x11: {  	[smem:$0x3FB7] =	sst s9;
	s0 =	simm.s32 @!p0 $0x0  }
0x12: {  	s1 =	sld [smem:$0x3F9D];
	s0 =	simm.s32 @p0 $0x1  }
0x13: {  	[smem:$0x3FB8] =	sst s0;
	s0 =	simm.s32 @!p1 $0x0  }
0x14: {  	s2 =	sld [smem:$0x3F9C];
	s0 =	simm.s32 @p1 $0x1  }
0x15: {  	[smem:$0x3FB9] =	sst s0;
	s0 =	simm.s32 @!p2 $0x0  }
0x16: {  	s3 =	sld [smem:$0x3FDB];
	s0 =	simm.s32 @p2 $0x1  }
0x17: {  	s4 =	simm.s32 $0x1BF5;
	[smem:$0x3FBB] =	sst s0  }
0x18: {  	s0 =	sld [smem:$0x3F9E];
	_ =	swait.ge [sflag:s4], $0x0  }
0x19: {  	s7 =	sld [smem:$0x3F9F]  }
0x1a: {  	s8 =	sadd.s32 $0xFFFFE003, lr  }
0x1b: {  	s9 =	sadd.s32 $0xFFFFFEF7, lr;
	s5 =	simm.s32 $0xFFFFFFFF;
	p2 =	slt.u32 s8, $0xFFFFF086  }
0x1c: {  	p1 =	slt.u32 s9, $0xF7A;
	s5 =	simm.s32 @!p2 $0x0  }
0x1d: {  	s5 =	simm.s32 @p1 $0x1;
	p0 =	seq.s32 s7, s2  }
0x1e: {  	s7 =	smul.u32 @!p0 $0xF7A, s2;
	p2 =	seq.s32 @!p0 s5, $0x0  }
0x1f: {  	s9 =	smul.u32 $0xF7A, s1;
	s8 =	simm.s32 @!p0 $0x1BF5;
	p2 =	por !p2, p0  }
0x20: {  	[sflag:s8] =	ssyncset.s32 @!p0 $0xFFFFF086;
	s6 =	sadd.s32 @!p0 s3, s7;
	s7 =	simm.s32 @!p0 $0x108  }
0x21: {  	s3 =	sadd.s32 s3, s9;
	s6 =	sadd.s32 @!p0 $0x88, s6;
	s7 =	simm.s32 @p2 $0x1082  }
0x22: {  	[simem:s7], [sflag:s8] =	dma.local @!p0 [hbm:s6], $0xF7A  }
0x23: {  	s9 =	sor.u32 $0xD0000000, s2;
	s6 =	simm.s32 $0x108;
	_ =	swait.ge @!p0 [sflag:s8], $0x0  }
0x24: {  	s3 =	sadd.s32 $0x88, s3;
	s6 =	simm.s32 @!p1 $0x1082;
	[sflag:s4] =	ssyncset.s32 $0xFFFFF086  }
0x25: {  	[simem:s6], [sflag:s4] =	dma.local [hbm:s3], $0xF7A  }
0x26: {  	[smem:$0x3F9F] =	sst s1;
	(tag) =	ssettag s2;
	_ =	strace s9  }
0x27: {  	s1 =	sld [smem:$0x3FAF]  }
0x28: {  	s2 =	sld [smem:$0x3FB0]  }
0x29: {  	s4 =	sld [smem:$0x3FB2]  }
0x2a: {  	p0 =	seq.s32 s5, $0x0;
	s5 =	sld [smem:$0x3FB3]  }
0x2b: {  	s6 =	sld [smem:$0x3FB4]  }
0x2c: {  	s7 =	sld [smem:$0x3FB5]  }
0x2d: {  	s3 =	simm.s32 $0x108;
	s8 =	sld [smem:$0x3FB6]  }
0x2e: {  	s3 =	simm.s32 @!p0 $0x1082;
	s9 =	sld [smem:$0x3FB7]  }
0x2f: {  	lr =	sadd.s32 s0, s3;
	s0 =	sld [smem:$0x3FAE]  }
0x30: {  	s3 =	sld [smem:$0x3FB1]  }
0x31: {  	[smem:$0x3FBA] =	sst s10  }
0x32: {  	s10 =	sld [smem:$0x3FB8];
	_ =	sdelay $0x3  }
0x33: {  	p0 =	seq.s32 s10, $0x1;
	s10 =	sld [smem:$0x3FBA];
	_ =	sdelay $0x3  }
0x34: {  	[smem:$0x3FBA] =	sst s10  }
0x35: {  	s10 =	sld [smem:$0x3FB9];
	_ =	sdelay $0x3  }
0x36: {  	p1 =	seq.s32 s10, $0x1;
	s10 =	sld [smem:$0x3FBA];
	_ =	sdelay $0x3  }
0x37: {  	[smem:$0x3FBA] =	sst s10  }
0x38: {  	s10 =	sld [smem:$0x3FBB]  }
0x39: {  	_ = 	snop;
	(pc) =	sbr.ind lr, $3  }
0x3a: {  	_ = 	snop  }
0x3b: {  	_ = 	snop  }
0x3c: {  	p2 =	seq.s32 s10, $0x1;
	s10 =	sld [smem:$0x3FBA]  }
0x3d: {  	_ =	shalt  }
0x3e: {  	_ =	shalt  }
0x3f: {  	_ =	shalt  }
0x40: {  	_ =	shalt  }
0x41: {  	_ =	shalt  }
0x42: {  	_ =	shalt  }
0x43: {  	_ =	shalt  }
0x44: {  	_ =	shalt  }
0x45: {  	_ =	shalt  }
0x46: {  	_ =	shalt  }
0x47: {  	_ =	shalt  }
0x48: {  	_ =	shalt  }
0x49: {  	_ =	shalt  }
0x4a: {  	_ =	shalt  }
0x4b: {  	_ =	shalt  }
0x4c: {  	_ =	shalt  }
0x4d: {  	_ =	shalt  }
0x4e: {  	_ =	shalt  }
0x4f: {  	_ =	shalt  }
0x50: {  	_ =	shalt  }
0x51: {  	_ =	shalt  }
0x52: {  	_ =	shalt  }
0x53: {  	_ =	shalt  }
0x54: {  	_ =	shalt  }
0x55: {  	_ =	shalt  }
0x56: {  	_ =	shalt  }
0x57: {  	_ =	shalt  }
0x58: {  	_ =	shalt  }
0x59: {  	_ =	shalt  }
0x5a: {  	_ =	shalt  }
0x5b: {  	_ =	shalt  }
0x5c: {  	_ =	shalt  }
0x5d: {  	_ =	shalt  }
0x5e: {  	_ =	shalt  }
0x5f: {  	_ =	shalt  }
0x60: {  	_ =	shalt  }
0x61: {  	_ =	shalt  }
0x62: {  	_ =	shalt  }
0x63: {  	_ =	shalt  }
0x64: {  	_ =	shalt  }
0x65: {  	_ =	shalt  }
0x66: {  	_ =	shalt  }
0x67: {  	_ =	shalt  }
0x68: {  	_ =	shalt  }
0x69: {  	_ =	shalt  }
0x6a: {  	_ =	shalt  }
0x6b: {  	_ =	shalt  }
0x6c: {  	_ =	shalt  }
0x6d: {  	_ =	shalt  }
0x6e: {  	_ =	shalt  }
0x6f: {  	_ =	shalt  }
0x70: {  	_ =	shalt  }
0x71: {  	_ =	shalt  }
0x72: {  	_ =	shalt  }
0x73: {  	_ =	shalt  }
0x74: {  	_ =	shalt  }
0x75: {  	_ =	shalt  }
0x76: {  	_ =	shalt  }
0x77: {  	_ =	shalt  }
0x78: {  	_ =	shalt  }
0x79: {  	_ =	shalt  }
0x7a: {  	_ =	shalt  }
0x7b: {  	_ =	shalt  }
0x7c: {  	_ =	shalt  }
0x7d: {  	_ =	shalt  }
0x7e: {  	_ =	shalt  }
0x7f: {  	_ =	shalt  }
0x80: {  	_ =	shalt  }
0x81: {  	_ =	shalt  }
0x82: {  	_ =	shalt  }
0x83: {  	_ =	shalt  }
0x84: {  	_ =	shalt  }
0x85: {  	_ =	shalt  }
0x86: {  	_ =	shalt  }
0x87: {  	_ =	shalt  }
.Lfunc_end0:
.L_simem_size_0:
called_computation_lowered:
.L_overlay_start_0:
0x88: {  	s2 =	sld [smem:$0x3FD9]  }
0x89: {  	s3 =	sld [smem:$0x3FFE];
	_ =	sdelay $0x1  }
0x8a: {  	s1 =	srdreg.scid  }
0x8b: {  	s0 =	sand.u32 $0x1, s1  }
0x8c: {  	s18 =	sshll.u32 s0, $0xA;
	s2 =	sadd.s32 s3, s2  }
0x8d: {  	s2 =	sadd.s32 s2, s18  }
0x8e: {  	[smem:$0x3FC6] =	sst s2  }
0x8f: {  	_ = 	snop  }
0x90: {  	s2 =	sld [smem:$0x3FC9]  }
0x91: {  	s19 =	sld [smem:$0x3FC8]  }
0x92: {  	s4 =	sld [smem:$0x3FD0];
	(tm) =	ssettm $0x1  }
0x93: {  	s5 =	sld [smem:$0x3FFB];
	_ =	sdelay $0x3  }
0x94: {  	_ =	strace s5  }
0x95: {  	s5 =	sld [smem:$0x3FFC];
	_ =	sdelay $0x3  }
0x96: {  	_ =	strace s5  }
0x97: {  	s5 =	sld [smem:$0x3FFD];
	_ =	sdelay $0x3  }
0x98: {  	_ =	strace s5  }
0x99: {  	_ =	strace $0x8FFFFFFF  }
0x9a: {  	s20 =	sld [smem:$0x3FDB];
	_ =	sdelay $0x1  }
0x9b: {  	s6 =	simm.s32 $_scs_section_size  }
0x9c: {  	s7 =	simm.s32 $_size__tile_overlayer_lowered;
	s8 =	simm.s32 $_tile_overlayer_lowered  }
0x9d: {  	s23 =	simm.s32 $0x1BFF;
	s22 =	sshll.u32 s8, $0x1;
	s5 =	sadd.s32 s6, s20  }
0x9e: {  	s9 =	simm.s32 $0x0;
	s21 =	sshll.u32 s7, $0x1;
	s7 =	sadd.s32 s22, s5  }
0x9f: {  	[timem:s9], [sflag:s23] =	dma.local [hbm:s7], s21  }
0xa0: {  	_ =	swait.ge [sflag:s23], s21  }
0xa1: {  	s6 =	ssub.s32 $0x0, s21;
	[sflag:s23] =	ssyncset.done $0x0  }
0xa2: {  	[sflag:s23] =	ssyncadd.s32 s6;
	_ =	sdelay $0x1  }
0xa3: {  	s24 =	simm.s32 $0x1B8B  }
0xa4: {  	_ =	swait.ge [sflag:s24], $0x1  }
0xa5: {  	[sflag:s24] =	ssyncset.done $0x0  }
0xa6: {  	s25 =	simm.s32 $0x1B8E;
	[sflag:s24] =	ssyncadd.s32 $0xFFFFFFFF  }
0xa7: {  	s26 =	simm.s32 $execute0_lowered;
	[smem:$0x3FD2] =	sst s25  }
0xa8: {  	s6 =	sshll.u32 s26, $0x1;
	_ =	strace $0x80000046;
	[dreg:$0x1] =	wrdreg $0xFFFFFFFF  }
0xa9: {  	s28 =	simm.s32 $_size_execute0_lowered;
	s5 =	sadd.s32 s5, s6;
	[dreg:$0x0] =	wrdreg $0x0  }
0xaa: {  	s6 =	sshll.u32 s28, $0x1;
	[dreg:$0x2] =	wrdreg s5  }
0xab: {  	[dreg:$0x3] =	wrdreg s6  }
0xac: {  	[dreg:$0x4] =	wrdreg $0xC0  }
0xad: {  	_ =	task [dreg:s9], $0x5FFFF  }
0xae: {  	[dreg:$0x1] =	wrdreg $0xFFFFFFFF  }
0xaf: {  	[dreg:$0x0] =	wrdreg $0x60  }
0xb0: {  	[dreg:$0x2] =	wrdreg s2  }
0xb1: {  	[dreg:$0x3] =	wrdreg s19  }
0xb2: {  	[dreg:$0x4] =	wrdreg s4  }
0xb3: {  	[dreg:$0x5] =	wrdreg $0x1B0000  }
0xb4: {  	[dreg:$0x6] =	wrdreg $0x1C0000  }
0xb5: {  	[dreg:$0x7] =	wrdreg $0x9  }
0xb6: {  	_ =	task.clear_ibuf [dreg:s9], $0x8FFFF;
	_ =	strace $0x90000046  }
0xb7: {  	s29 =	simm.s32 $0x9;
	_ =	strace $0x80000048  }
0xb8: {  	_ =	swait.ge [sflag:s29], $0x1  }
0xb9: {  	[sflag:s29] =	ssyncadd.s32 $0xFFFFFFFF  }
0xba: {  	_ =	strace $0x90000048  }
0xbb: {  	_ =	sfence  }
0xbc: {  	s30 =	sld [smem:$0x0];
	_ =	sdelay $0x2  }
0xbd: {  	s31 =	sshll.u32 s1, $0xD;
	s1 =	sshrl.u32 s1, $0x2  }
0xbe: {  	s3 =	sand.u32 $0x4000, s31;
	s1 =	sadd.s32 s1, s30  }
0xbf: {  	s0 =	sor.u32 s3, s0;
	s1 =	sshll.u32 s1, $0x11  }
0xc0: {  	s0 =	sor.u32 s1, s0  }
0xc1: {  	s0 =	sadd.s32 $0x8F2B, s0  }
0xc2: {  	[sflag:s0] =	ssyncadd.remote.s32 $0x1  }
0xc3: {  	_ =	sfence.sel $0xFFFF  }
0xc4: {  	[dreg:$0x0] =	wrdreg $0xFFFFFFFF;
	(pc) =	sbr.abs _section_cstart, $3  }
0xc5: {  	[dreg:$0x1] =	wrdreg $0xFFFFFFFF  }
0xc6: {  	_ =	task.clear_ibuf [dreg:s9], $0x2FFFF;
	_ =	strace $0x9FFFFFFF  }
0xc7: {  	(tm) =	ssettm $0x7FFFFFFF  }
tec
execute0_lowered:
.L_overlay_start_1:
0x0: {  	(tag) =	ssettag $0x1  }
0x1: {  	s0 =	rddreg [dreg:$0x0]  }
0x2: {  	s2 =	rddreg [dreg:$0x1]  }
0x3: {  	s3 =	rddreg [dreg:$0x2]  }
0x4: {  	s1 =	rddreg [dreg:$0x3];
	s4 =	srdreg.scid  }
0x5: {  	s12 =	stileid.u32;
	s8 =	rddreg [dreg:$0x4];
	s5 =	simm.s32 $0x0  }
0x6: {  	s19 =	simm.s32 $0xB000;
	s20 =	simm.s32 $0x13000;
	s21 =	simm.s32 $0xF000  }
0x7: {  	s28 =	simm.s32 $0x400;
	s29 =	simm.s32 $0x5;
	s31 =	simm.s32 $0x4  }
0x8: {  	s4 =	sand.u32 $0x1, s4;
	s6 =	sshll.u32 s12, $0x12;
	[smem:$0x7FF] =	sst s5  }
0x9: {  	s11 =	sshll.u32 s12, $0xC;
	s12 =	sshll.u32 s12, $0x7;
	s7 =	sshll.u32 s4, $0x16  }
0xa: {  	s9 =	sand.u32 $0x300000, s6;
	s6 =	sand.u32 $0xC0000, s6;
	s4 =	ssub.s32 $0x2, s4  }
0xb: {  	_ =	strace $0x80000047;
	s25 =	sor.u32 s12, s11;
	s7 =	sor.u32 s7, s9  }
0xc: {  	s22 =	sshrl.u32 s4, $0x1;
	s13 =	sand.u32 $0x8380, s25;
	s6 =	sor.u32 s6, s7  }
0xd: {  	s4 =	ssub.s32 s4, s22;
	s14 =	sadd.s32 s13, s1;
	s13 =	sadd.s32 s13, s8  }
0xe: {  	s22 =	simm.s32 $0x17000;
	s23 =	sshrl.u32 s6, $0x3;
	[dreg:$0x8] =	wrdreg s14  }
0xf: {  	s11 =	sor.u32 $0x8000, s6;
	s12 =	sor.u32 $0xC000, s6;
	[dreg:$0x9] =	wrdreg s13  }
0x10: {  	s17 =	sor.u32 $0x4000, s6;
	s30 =	smax.u32 s4, $0x1;
	s7 =	sadd.s32 s2, s23  }
0x11: {  	s10 =	sadd.s32 s0, s23;
	s24 =	sor.u32 $0x800, s23;
	[dreg:$0xc] =	wrdreg s30  }
.Ltmp0:
0x12: {  	[dreg:$0x6] =	wrdreg s10;
	s10 =	sadd.s32 s0, s24;
	(pc) =	sbr.rel .LBB2_1-.Ltmp0, $4  }
0x13: {  	s23 =	simm.s32 $0x1;
	[dreg:$0x7] =	wrdreg s10;
	s10 =	sand.u32 $0x8200, s25  }
0x14: {  	s9 =	sadd.s32 s2, s24;
	s24 =	simm.s32 $0x1000;
	s1 =	sadd.s32 s10, s1  }
0x15: {  	s25 =	simm.s32 $0x2;
	s26 =	sadd.s32 s10, s8;
	[dreg:$0xa] =	wrdreg s1  }
0x16: {  	v0 =	vimm.f32 $0.0e+00;
	v1 =	vimm.f32 $1.000000000e+00;
	s8 =	simm.s32 $0x0;
	[dreg:$0xb] =	wrdreg s26;
	s1 =	simm.s32 $0x2000  }
.LBB2_23:
0x17: {  	s4 =	simm.s32 $0x3  }
0x18: {  	_ =	swait.ge [sflag:s4], $0x4000  }
0x19: {  	[sflag:s4] =	ssyncset.done $0x0  }
0x1a: {  	[sflag:s4] =	ssyncadd.s32 $0xFFFFC000  }
0x1b: {  	_ =	swait.ge [sflag:s31], $0x4000  }
0x1c: {  	s8 =	sadd.s32 $0x1, s8;
	s30 =	rddreg [dreg:$0xc]  }
0x1d: {  	p0 =	sne.s32 s8, s30  }
.Ltmp1:
0x1e: {  	_ = 	snop;
	(pc) =	sbr.rel @!p0 .LBB2_24-.Ltmp1, $3  }
0x1f: {  	_ =	sdelay $0x1  }
0x20: {  	[sflag:s31] =	ssyncset.done $0x0  }
0x21: {  	[sflag:s31] =	ssyncadd.s32 $0xFFFFC000  }
.LBB2_1:
0x22: {  	s10 =	simm.s32 $0x0;
	s13 =	simm.s32 $0x200  }
.LBB2_2:
0x23: {  	p0 =	sne.s32 s13, $0x3E00;
	[tilespmem:s10+$0x1070] =	vst v0  }
0x24: {  	[tilespmem:s10+$0x0] =	vst v0  }
0x25: {  	[tilespmem:s10+$0x1000] =	vst v0  }
0x26: {  	[tilespmem:s10+$0x10] =	vst v0  }
0x27: {  	[tilespmem:s10+$0x1010] =	vst v0  }
0x28: {  	[tilespmem:s10+$0x20] =	vst v0  }
0x29: {  	[tilespmem:s10+$0x1020] =	vst v0  }
0x2a: {  	[tilespmem:s10+$0x30] =	vst v0  }
0x2b: {  	[tilespmem:s10+$0x1030] =	vst v0  }
0x2c: {  	[tilespmem:s10+$0x40] =	vst v0  }
0x2d: {  	[tilespmem:s10+$0x1040] =	vst v0  }
.Ltmp2:
0x2e: {  	[tilespmem:s10+$0x50] =	vst v0;
	(pc) =	sbr.rel @p0 .LBB2_2-.Ltmp2, $4  }
0x2f: {  	[tilespmem:s10+$0x1050] =	vst v0  }
0x30: {  	[tilespmem:s10+$0x60] =	vst v0  }
0x31: {  	[tilespmem:s10+$0x1060] =	vst v0  }
0x32: {  	[tilespmem:s10+$0x70] =	vst v0;
	s10 =	sshra.s32 s13, $0x2;
	s13 =	sadd.s32 $0x200, s13  }
0x33: {  	[tilespmem:s10+$0x1070] =	vst v0  }
0x34: {  	[tilespmem:s10+$0x0] =	vst v0  }
0x35: {  	[tilespmem:s10+$0x1000] =	vst v0  }
0x36: {  	[tilespmem:s10+$0x10] =	vst v0  }
0x37: {  	[tilespmem:s10+$0x1010] =	vst v0  }
0x38: {  	[tilespmem:s10+$0x20] =	vst v0  }
0x39: {  	[tilespmem:s10+$0x1020] =	vst v0  }
0x3a: {  	[tilespmem:s10+$0x30] =	vst v0  }
0x3b: {  	[tilespmem:s10+$0x1030] =	vst v0  }
0x3c: {  	[tilespmem:s10+$0x40] =	vst v0  }
0x3d: {  	[tilespmem:s10+$0x1040] =	vst v0  }
0x3e: {  	[tilespmem:s10+$0x50] =	vst v0  }
0x3f: {  	[tilespmem:s10+$0x1050] =	vst v0  }
0x40: {  	[tilespmem:s10+$0x60] =	vst v0  }
0x41: {  	[tilespmem:s10+$0x1060] =	vst v0  }
0x42: {  	[tilespmem:s10+$0x70] =	vst v0;
	s10 =	simm.s32 $0x0  }
0x43: {  	[tilespmem:s19], [sflag:$0x1] =	stream.linear.gather [hbm4b:s7+s10], $0x4000, $0x38;
	[tilespmem:$0x1D000] =	vst v63  }
0x44: {  	s4 =	rddreg [dreg:$0x6]  }
0x45: {  	[tilespmem:s20], [sflag:$0x1] =	stream.linear.gather [hbm4b:s4+s10], $0x4000, $0x38;
	[tilespmem:$0x1D000] =	vst v63  }
0x46: {  	_ = 	snop  }
0x47: {  	[tilespmem:s21], [sflag:$0x2] =	stream.linear.gather [hbm4b:s9+s10], $0x4000, $0x38;
	[tilespmem:$0x1D000] =	vst v63  }
0x48: {  	s30 =	rddreg [dreg:$0x7];
	s13 =	simm.s32 $0x0  }
0x49: {  	[tilespmem:s22], [sflag:$0x2] =	stream.linear.gather [hbm4b:s30+s10], $0x4000, $0x38;
	[tilespmem:$0x1D000] =	vst v63  }
.LBB2_4:
0x4a: {  	_ =	swait.ge [sflag:s23], $0x4000  }
0x4b: {  	[sflag:s23] =	ssyncset.done $0x0  }
0x4c: {  	s4 =	simm.s32 $0x0;
	s14 =	simm.s32 $0x0;
	[sflag:s23] =	ssyncadd.s32 $0xFFFFC000  }
0x4d: {  	s15 =	sand.u32 $0xC00, s10;
	s4 =	sand.u32 $0x3000, s4;
	_ =	swait.ge [sflag:s23], $0x4000  }
0x4e: {  	s14 =	sand.u32 $0x380, s14;
	s4 =	sor.u32 s15, s4;
	[sflag:s23] =	ssyncset.done $0x0  }
0x4f: {  	s4 =	sor.u32 s14, s4;
	[sflag:s23] =	ssyncadd.s32 $0xFFFFC000  }
0x50: {  	v6 =	vld [tilespmem:s4+$0xB040]  }
0x51: {  	v2 =	vld [tilespmem:s4+$0x13070]  }
0x52: {  	v3 =	vld [tilespmem:s4+$0xB060]  }
0x53: {  	v7 =	vld [tilespmem:s4+$0xB030]  }
0x54: {  	v8 =	vld [tilespmem:s4+$0x13010]  }
0x55: {  	v9 =	vld [tilespmem:s4+$0xB020]  }
0x56: {  	v10 =	vld [tilespmem:s4+$0x13000]  }
0x57: {  	v11 =	vld [tilespmem:s4+$0xB010]  }
0x58: {  	v12 =	vld [tilespmem:s4+$0xB000]  }
0x59: {  	v4 =	vld [tilespmem:s4+$0xB070]  }
0x5a: {  	v13 =	vld [tilespmem:s4+$0x13020]  }
0x5b: {  	v14 =	vld [tilespmem:s4+$0x13030]  }
0x5c: {  	v15 =	vld [tilespmem:s4+$0x13040]  }
0x5d: {  	v16 =	vld [tilespmem:s4+$0xB050]  }
0x5e: {  	v17 =	vld [tilespmem:s4+$0x13050]  }
0x5f: {  	v5 =	vld [tilespmem:s4+$0x13060]  }
0x60: {  	[tilespmem:v12+s5+$0x0] =	vst.idx.add.f32.msk $0xffff, v10  }
0x61: {  	[tilespmem:v12+s24+$0x0] =	vst.idx.add.f32.msk $0xffff, v1  }
0x62: {  	[tilespmem:v11+s5+$0x0] =	vst.idx.add.f32.msk $0xffff, v8  }
0x63: {  	[tilespmem:v11+s24+$0x0] =	vst.idx.add.f32.msk $0xffff, v1  }
0x64: {  	[tilespmem:v9+s5+$0x0] =	vst.idx.add.f32.msk $0xffff, v13  }
0x65: {  	[tilespmem:v9+s24+$0x0] =	vst.idx.add.f32.msk $0xffff, v1  }
0x66: {  	[tilespmem:v7+s5+$0x0] =	vst.idx.add.f32.msk $0xffff, v14  }
0x67: {  	[tilespmem:v7+s24+$0x0] =	vst.idx.add.f32.msk $0xffff, v1  }
0x68: {  	[tilespmem:v6+s5+$0x0] =	vst.idx.add.f32.msk $0xffff, v15  }
0x69: {  	[tilespmem:v6+s24+$0x0] =	vst.idx.add.f32.msk $0xffff, v1  }
0x6a: {  	[tilespmem:v16+s5+$0x0] =	vst.idx.add.f32.msk $0xffff, v17  }
0x6b: {  	s15 =	simm.s32 $0x1;
	s14 =	simm.s32 $0x400;
	[tilespmem:v16+s24+$0x0] =	vst.idx.add.f32.msk $0xffff, v1  }
.LBB2_5:
0x6c: {  	s4 =	sshll.u32 s15, $0x7  }
0x6d: {  	s16 =	sshll.u32 s15, $0x5;
	[tilespmem:v3+s5+$0x0] =	vst.idx.add.f32.msk $0xffff, v5;
	s18 =	smov.u32 s15;
	s26 =	sadd.s32 $0x1, s15  }
0x6e: {  	s18 =	sand.u32 $0xC00, s14;
	s4 =	sand.u32 $0x3000, s4;
	s16 =	sand.u32 $0x380, s16;
	[tilespmem:v3+s24+$0x0] =	vst.idx.add.f32.msk $0xffff, v1  }
0x6f: {  	p0 =	sne.s32 s15, $0x7F;
	s4 =	sor.u32 s18, s4;
	[tilespmem:v4+s5+$0x0] =	vst.idx.add.f32.msk $0xffff, v2  }
0x70: {  	s4 =	sor.u32 s16, s4;
	[tilespmem:v4+s24+$0x0] =	vst.idx.add.f32.msk $0xffff, v1  }
0x71: {  	v6 =	vld [tilespmem:s4+$0xB040]  }
0x72: {  	v2 =	vld [tilespmem:s4+$0x13070]  }
0x73: {  	v3 =	vld [tilespmem:s4+$0xB060]  }
0x74: {  	v7 =	vld [tilespmem:s4+$0xB030]  }
0x75: {  	v8 =	vld [tilespmem:s4+$0x13010]  }
0x76: {  	v9 =	vld [tilespmem:s4+$0xB020]  }
0x77: {  	v10 =	vld [tilespmem:s4+$0x13000]  }
0x78: {  	v11 =	vld [tilespmem:s4+$0xB010]  }
0x79: {  	v12 =	vld [tilespmem:s4+$0xB000]  }
0x7a: {  	v4 =	vld [tilespmem:s4+$0xB070]  }
0x7b: {  	v13 =	vld [tilespmem:s4+$0x13020]  }
0x7c: {  	v14 =	vld [tilespmem:s4+$0x13030]  }
0x7d: {  	v15 =	vld [tilespmem:s4+$0x13040]  }
0x7e: {  	v16 =	vld [tilespmem:s4+$0xB050]  }
0x7f: {  	v17 =	vld [tilespmem:s4+$0x13050]  }
0x80: {  	v5 =	vld [tilespmem:s4+$0x13060]  }
0x81: {  	[tilespmem:v12+s5+$0x0] =	vst.idx.add.f32.msk $0xffff, v10  }
0x82: {  	[tilespmem:v12+s24+$0x0] =	vst.idx.add.f32.msk $0xffff, v1  }
0x83: {  	[tilespmem:v11+s5+$0x0] =	vst.idx.add.f32.msk $0xffff, v8  }
0x84: {  	[tilespmem:v11+s24+$0x0] =	vst.idx.add.f32.msk $0xffff, v1  }
0x85: {  	[tilespmem:v9+s5+$0x0] =	vst.idx.add.f32.msk $0xffff, v13  }
0x86: {  	[tilespmem:v9+s24+$0x0] =	vst.idx.add.f32.msk $0xffff, v1  }
0x87: {  	[tilespmem:v7+s5+$0x0] =	vst.idx.add.f32.msk $0xffff, v14  }
.Ltmp3:
0x88: {  	[tilespmem:v7+s24+$0x0] =	vst.idx.add.f32.msk $0xffff, v1;
	(pc) =	sbr.rel @p0 .LBB2_5-.Ltmp3, $4  }
0x89: {  	[tilespmem:v6+s5+$0x0] =	vst.idx.add.f32.msk $0xffff, v15  }
0x8a: {  	[tilespmem:v6+s24+$0x0] =	vst.idx.add.f32.msk $0xffff, v1  }
0x8b: {  	[tilespmem:v16+s5+$0x0] =	vst.idx.add.f32.msk $0xffff, v17  }
0x8c: {  	s14 =	sadd.s32 $0x400, s14;
	s15 =	smov.u32 s26;
	[tilespmem:v16+s24+$0x0] =	vst.idx.add.f32.msk $0xffff, v1  }
0x8d: {  	_ =	sdelay $0x3  }
0x8e: {  	[tilespmem:v3+s5+$0x0] =	vst.idx.add.f32.msk $0xffff, v5;
	s14 =	sshll.u32 s13, $0xF;
	p0 =	seq.s32 s13, $0x7  }
0x8f: {  	[tilespmem:v3+s24+$0x0] =	vst.idx.add.f32.msk $0xffff, v1;
	s4 =	sadd.s32 @!p0 s14, s11  }
0x90: {  	[tilespmem:v4+s5+$0x0] =	vst.idx.add.f32.msk $0xffff, v2;
	s4 =	sshrl.u32 @!p0 s4, $0x3  }
0x91: {  	s16 =	simm.s32 @!p0 $0x0;
	s18 =	simm.s32 @!p0 $0xB000;
	[tilespmem:v4+s24+$0x0] =	vst.idx.add.f32.msk $0xffff, v1;
	s15 =	sadd.s32 @!p0 s2, s4  }
0x92: {  	[tilespmem:s18], [sflag:$0x1] =	stream.linear.gather @!p0 [hbm4b:s15+s16], $0x4000, $0x38;
	[tilespmem:$0x1D000] =	vst v63  }
0x93: {  	s4 =	sadd.s32 @!p0 s0, s4;
	s15 =	simm.s32 @!p0 $0x13000  }
0x94: {  	[tilespmem:s15], [sflag:$0x1] =	stream.linear.gather @!p0 [hbm4b:s4+s16], $0x4000, $0x38;
	[tilespmem:$0x1D000] =	vst v63  }
0x95: {  	_ =	swait.ge [sflag:s25], $0x4000  }
0x96: {  	s26 =	simm.s32 $0x0;
	[sflag:s25] =	ssyncset.done $0x0  }
0x97: {  	s30 =	simm.s32 $0x0;
	s18 =	simm.s32 $0x0;
	[sflag:s25] =	ssyncadd.s32 $0xFFFFC000  }
0x98: {  	s4 =	sand.u32 $0xC00, s18;
	s15 =	sand.u32 $0x3000, s26;
	_ =	swait.ge [sflag:s25], $0x4000  }
0x99: {  	s16 =	sand.u32 $0x380, s30;
	s4 =	sor.u32 s4, s15;
	[sflag:s25] =	ssyncset.done $0x0  }
0x9a: {  	s4 =	sor.u32 s16, s4;
	[sflag:s25] =	ssyncadd.s32 $0xFFFFC000  }
0x9b: {  	v6 =	vld [tilespmem:s4+$0xF040]  }
0x9c: {  	v2 =	vld [tilespmem:s4+$0x17070]  }
0x9d: {  	v3 =	vld [tilespmem:s4+$0xF060]  }
0x9e: {  	v7 =	vld [tilespmem:s4+$0xF030]  }
0x9f: {  	v8 =	vld [tilespmem:s4+$0x17010]  }
0xa0: {  	v9 =	vld [tilespmem:s4+$0xF020]  }
0xa1: {  	v10 =	vld [tilespmem:s4+$0x17000]  }
0xa2: {  	v11 =	vld [tilespmem:s4+$0xF010]  }
0xa3: {  	v12 =	vld [tilespmem:s4+$0xF000]  }
0xa4: {  	v4 =	vld [tilespmem:s4+$0xF070]  }
0xa5: {  	v13 =	vld [tilespmem:s4+$0x17020]  }
0xa6: {  	v14 =	vld [tilespmem:s4+$0x17030]  }
0xa7: {  	v15 =	vld [tilespmem:s4+$0x17040]  }
0xa8: {  	v16 =	vld [tilespmem:s4+$0xF050]  }
0xa9: {  	v17 =	vld [tilespmem:s4+$0x17050]  }
0xaa: {  	v5 =	vld [tilespmem:s4+$0x17060]  }
0xab: {  	[tilespmem:v12+s5+$0x0] =	vst.idx.add.f32.msk $0xffff, v10  }
0xac: {  	[tilespmem:v12+s24+$0x0] =	vst.idx.add.f32.msk $0xffff, v1  }
0xad: {  	[tilespmem:v11+s5+$0x0] =	vst.idx.add.f32.msk $0xffff, v8  }
0xae: {  	[tilespmem:v11+s24+$0x0] =	vst.idx.add.f32.msk $0xffff, v1  }
0xaf: {  	[tilespmem:v9+s5+$0x0] =	vst.idx.add.f32.msk $0xffff, v13  }
0xb0: {  	[tilespmem:v9+s24+$0x0] =	vst.idx.add.f32.msk $0xffff, v1  }
0xb1: {  	[tilespmem:v7+s5+$0x0] =	vst.idx.add.f32.msk $0xffff, v14  }
0xb2: {  	[tilespmem:v7+s24+$0x0] =	vst.idx.add.f32.msk $0xffff, v1  }
0xb3: {  	[tilespmem:v6+s5+$0x0] =	vst.idx.add.f32.msk $0xffff, v15  }
0xb4: {  	[tilespmem:v6+s24+$0x0] =	vst.idx.add.f32.msk $0xffff, v1  }
0xb5: {  	[tilespmem:v16+s5+$0x0] =	vst.idx.add.f32.msk $0xffff, v17  }
0xb6: {  	s26 =	simm.s32 $0x400;
	s15 =	simm.s32 $0x1;
	[tilespmem:v16+s24+$0x0] =	vst.idx.add.f32.msk $0xffff, v1  }
.LBB2_7:
0xb7: {  	s4 =	sshll.u32 s15, $0x7  }
0xb8: {  	s16 =	sshll.u32 s15, $0x5;
	[tilespmem:v3+s5+$0x0] =	vst.idx.add.f32.msk $0xffff, v5;
	s18 =	smov.u32 s15;
	s30 =	sadd.s32 $0x1, s15  }
0xb9: {  	s18 =	sand.u32 $0xC00, s26;
	s4 =	sand.u32 $0x3000, s4;
	s16 =	sand.u32 $0x380, s16;
	[tilespmem:v3+s24+$0x0] =	vst.idx.add.f32.msk $0xffff, v1  }
0xba: {  	p1 =	sne.s32 s15, $0x7F;
	s4 =	sor.u32 s18, s4;
	[tilespmem:v4+s5+$0x0] =	vst.idx.add.f32.msk $0xffff, v2  }
0xbb: {  	s4 =	sor.u32 s16, s4;
	[tilespmem:v4+s24+$0x0] =	vst.idx.add.f32.msk $0xffff, v1  }
0xbc: {  	v6 =	vld [tilespmem:s4+$0xF040]  }
0xbd: {  	v2 =	vld [tilespmem:s4+$0x17070]  }
0xbe: {  	v3 =	vld [tilespmem:s4+$0xF060]  }
0xbf: {  	v7 =	vld [tilespmem:s4+$0xF030]  }
0xc0: {  	v8 =	vld [tilespmem:s4+$0x17010]  }
0xc1: {  	v9 =	vld [tilespmem:s4+$0xF020]  }
0xc2: {  	v10 =	vld [tilespmem:s4+$0x17000]  }
0xc3: {  	v11 =	vld [tilespmem:s4+$0xF010]  }
0xc4: {  	v12 =	vld [tilespmem:s4+$0xF000]  }
0xc5: {  	v4 =	vld [tilespmem:s4+$0xF070]  }
0xc6: {  	v13 =	vld [tilespmem:s4+$0x17020]  }
0xc7: {  	v14 =	vld [tilespmem:s4+$0x17030]  }
0xc8: {  	v15 =	vld [tilespmem:s4+$0x17040]  }
0xc9: {  	v16 =	vld [tilespmem:s4+$0xF050]  }
0xca: {  	v17 =	vld [tilespmem:s4+$0x17050]  }
0xcb: {  	v5 =	vld [tilespmem:s4+$0x17060]  }
0xcc: {  	[tilespmem:v12+s5+$0x0] =	vst.idx.add.f32.msk $0xffff, v10  }
0xcd: {  	[tilespmem:v12+s24+$0x0] =	vst.idx.add.f32.msk $0xffff, v1  }
0xce: {  	[tilespmem:v11+s5+$0x0] =	vst.idx.add.f32.msk $0xffff, v8  }
0xcf: {  	[tilespmem:v11+s24+$0x0] =	vst.idx.add.f32.msk $0xffff, v1  }
0xd0: {  	[tilespmem:v9+s5+$0x0] =	vst.idx.add.f32.msk $0xffff, v13  }
0xd1: {  	[tilespmem:v9+s24+$0x0] =	vst.idx.add.f32.msk $0xffff, v1  }
0xd2: {  	[tilespmem:v7+s5+$0x0] =	vst.idx.add.f32.msk $0xffff, v14  }
.Ltmp4:
0xd3: {  	[tilespmem:v7+s24+$0x0] =	vst.idx.add.f32.msk $0xffff, v1;
	(pc) =	sbr.rel @p1 .LBB2_7-.Ltmp4, $4  }
0xd4: {  	[tilespmem:v6+s5+$0x0] =	vst.idx.add.f32.msk $0xffff, v15  }
0xd5: {  	[tilespmem:v6+s24+$0x0] =	vst.idx.add.f32.msk $0xffff, v1  }
0xd6: {  	[tilespmem:v16+s5+$0x0] =	vst.idx.add.f32.msk $0xffff, v17  }
0xd7: {  	s26 =	sadd.s32 $0x400, s26;
	s15 =	smov.u32 s30;
	[tilespmem:v16+s24+$0x0] =	vst.idx.add.f32.msk $0xffff, v1  }
0xd8: {  	_ =	sdelay $0x2  }
.Ltmp5:
0xd9: {  	_ = 	snop;
	(pc) =	sbr.rel @p0 .LBB2_10-.Ltmp5, $4  }
0xda: {  	[tilespmem:v3+s5+$0x0] =	vst.idx.add.f32.msk $0xffff, v5  }
0xdb: {  	[tilespmem:v3+s24+$0x0] =	vst.idx.add.f32.msk $0xffff, v1  }
0xdc: {  	[tilespmem:v4+s5+$0x0] =	vst.idx.add.f32.msk $0xffff, v2  }
0xdd: {  	[tilespmem:v4+s24+$0x0] =	vst.idx.add.f32.msk $0xffff, v1  }
0xde: {  	s4 =	sadd.s32 s14, s12  }
.Ltmp6:
0xdf: {  	s4 =	sshrl.u32 s4, $0x3;
	(pc) =	sbr.rel .LBB2_4-.Ltmp6, $4  }
0xe0: {  	s30 =	sadd.s32 s2, s4  }
0xe1: {  	[tilespmem:s21], [sflag:$0x2] =	stream.linear.gather [hbm4b:s30+s5], $0x4000, $0x38;
	[tilespmem:$0x1D000] =	vst v63  }
0xe2: {  	s13 =	sadd.s32 $0x1, s13;
	s4 =	sadd.s32 s0, s4  }
0xe3: {  	[tilespmem:s22], [sflag:$0x2] =	stream.linear.gather [hbm4b:s4+s5], $0x4000, $0x38;
	[tilespmem:$0x1D000] =	vst v63  }
.LBB2_10:
0xe4: {  	s4 =	simm.s32 $0x0;
	s10 =	rddreg [dreg:$0x8];
	s13 =	simm.s32 $0x80  }
0xe5: {  	[spmem:s10] =	stream.strided.scatter [tilespmem:s4], [sflag:$0x5], $0x1000, s28, s13, $0x38;
	[tilespmem:$0x1D000] =	vst v63  }
0xe6: {  	_ =	swait.ge [sflag:s29], $0x1000  }
0xe7: {  	[sflag:s29] =	ssyncset.done $0x0  }
0xe8: {  	s10 =	rddreg [dreg:$0x9];
	[sflag:s29] =	ssyncadd.s32 $0xFFFFF000  }
0xe9: {  	[spmem:s10] =	stream.strided.scatter [tilespmem:s24], [sflag:$0x5], $0x1000, s28, s13, $0x38;
	[tilespmem:$0x1D000] =	vst v63  }
0xea: {  	_ =	swait.ge [sflag:s29], $0x1000  }
0xeb: {  	[sflag:s29] =	ssyncset.done $0x0  }
0xec: {  	[sflag:s29] =	ssyncadd.s32 $0xFFFFF000  }
0xed: {  	[bflag:$0x0] =	sbarrier.arrive $0xFFFF  }
0xee: {  	s15 =	simm.s32 $0x200;
	s16 =	simm.s32 $0x3000;
	s14 =	rddreg [dreg:$0xa]  }
0xef: {  	[tilespmem:s16], [sflag:$0x5] =	stream.strided.gather [spmem:s14], $0x4000, s28, s15, $0x38;
	[tilespmem:$0x1D000] =	vst v63  }
0xf0: {  	_ =	swait.ge [sflag:s29], $0x4000  }
0xf1: {  	[sflag:s29] =	ssyncset.done $0x0  }
0xf2: {  	s26 =	simm.s32 $0x7000;
	s18 =	rddreg [dreg:$0xb];
	[sflag:s29] =	ssyncadd.s32 $0xFFFFC000  }
0xf3: {  	[tilespmem:s26], [sflag:$0x5] =	stream.strided.gather [spmem:s18], $0x4000, s28, s15, $0x38;
	[tilespmem:$0x1D000] =	vst v63  }
0xf4: {  	_ =	swait.ge [sflag:s29], $0x4000  }
0xf5: {  	[sflag:s29] =	ssyncset.done $0x0  }
0xf6: {  	s10 =	simm.s32 $0x0;
	[sflag:s29] =	ssyncadd.s32 $0xFFFFC000  }
0xf7: {  	v2 =	vld [tilespmem:s10+$0x7000]  }
0xf8: {  	v3 =	vld [tilespmem:s10+$0x7080];
	_ =	sdelay $0x1  }
0xf9: {  	v4 =	vld [tilespmem:s10+$0x7100];
	_ =	sdelay $0x1  }
0xfa: {  	v5 =	vld [tilespmem:s10+$0x7180]  }
0xfb: {  	v2 =	vadd.f32 v3, v2;
	_ =	sdelay $0x1  }
0xfc: {  	v2 =	vadd.f32 v4, v2;
	_ =	sdelay $0x1  }
0xfd: {  	v3 =	vld [tilespmem:s10+$0x3080];
	v2 =	vadd.f32 v5, v2  }
0xfe: {  	v4 =	vld [tilespmem:s10+$0x3000]  }
0xff: {  	(erf) = vrcp.f32 v2  }
0x100: {  	v2 =	vld [tilespmem:s10+$0x3100];
	_ =	sdelay $0x1  }
0x101: {  	v5 =	vld [tilespmem:s10+$0x3180]  }
0x102: {  	v3 =	vadd.f32 v3, v4;
	_ =	sdelay $0x1  }
0x103: {  	v2 =	vadd.f32 v2, v3;
	_ =	sdelay $0x1  }
0x104: {  	v2 =	vadd.f32 v5, v2  }
0x105: {  	v3 =	vpop (erf)  }
0x106: {  	v2 =	vmul.f32 v3, v2  }
0x107: {  	s30 =	simm.s32 $0x2040  }
0x108: {  	[tilespmem:s30+$0xFFFFFFC0] =	vst v2  }
0x109: {  	v2 =	vld [tilespmem:s10+$0x7010]  }
0x10a: {  	v3 =	vld [tilespmem:s10+$0x7090];
	_ =	sdelay $0x1  }
0x10b: {  	v4 =	vld [tilespmem:s10+$0x7110];
	_ =	sdelay $0x1  }
0x10c: {  	v5 =	vld [tilespmem:s10+$0x7190]  }
0x10d: {  	v2 =	vadd.f32 v3, v2;
	_ =	sdelay $0x1  }
0x10e: {  	v2 =	vadd.f32 v4, v2;
	_ =	sdelay $0x1  }
0x10f: {  	v3 =	vld [tilespmem:s10+$0x3090];
	v2 =	vadd.f32 v5, v2  }
0x110: {  	v4 =	vld [tilespmem:s10+$0x3010]  }
0x111: {  	(erf) = vrcp.f32 v2  }
0x112: {  	v2 =	vld [tilespmem:s10+$0x3110];
	_ =	sdelay $0x1  }
0x113: {  	v5 =	vld [tilespmem:s10+$0x3190]  }
0x114: {  	v3 =	vadd.f32 v3, v4;
	_ =	sdelay $0x1  }
0x115: {  	v2 =	vadd.f32 v2, v3;
	_ =	sdelay $0x1  }
0x116: {  	v2 =	vadd.f32 v5, v2  }
0x117: {  	v3 =	vpop (erf)  }
0x118: {  	v2 =	vmul.f32 v3, v2;
	_ =	sdelay $0x1  }
0x119: {  	[tilespmem:s30+$0xFFFFFFD0] =	vst v2  }
0x11a: {  	v2 =	vld [tilespmem:s10+$0x7020]  }
0x11b: {  	v3 =	vld [tilespmem:s10+$0x70A0];
	_ =	sdelay $0x1  }
0x11c: {  	v4 =	vld [tilespmem:s10+$0x7120];
	_ =	sdelay $0x1  }
0x11d: {  	v5 =	vld [tilespmem:s10+$0x71A0]  }
0x11e: {  	v2 =	vadd.f32 v3, v2;
	_ =	sdelay $0x1  }
0x11f: {  	v2 =	vadd.f32 v4, v2;
	_ =	sdelay $0x1  }
0x120: {  	v3 =	vld [tilespmem:s10+$0x30A0];
	v2 =	vadd.f32 v5, v2  }
0x121: {  	v4 =	vld [tilespmem:s10+$0x3020]  }
0x122: {  	(erf) = vrcp.f32 v2  }
0x123: {  	v2 =	vld [tilespmem:s10+$0x3120];
	_ =	sdelay $0x1  }
0x124: {  	v5 =	vld [tilespmem:s10+$0x31A0]  }
0x125: {  	v3 =	vadd.f32 v3, v4;
	_ =	sdelay $0x1  }
0x126: {  	v2 =	vadd.f32 v2, v3;
	_ =	sdelay $0x1  }
0x127: {  	v2 =	vadd.f32 v5, v2  }
0x128: {  	v3 =	vpop (erf)  }
0x129: {  	v2 =	vmul.f32 v3, v2;
	_ =	sdelay $0x1  }
0x12a: {  	[tilespmem:s30+$0xFFFFFFE0] =	vst v2  }
0x12b: {  	v3 =	vld [tilespmem:s10+$0x7030]  }
0x12c: {  	v4 =	vld [tilespmem:s10+$0x70B0]  }
0x12d: {  	v2 =	vld [tilespmem:s10+$0x71B0]  }
0x12e: {  	s13 =	simm.s32 $0x800;
	s26 =	simm.s32 $0x2040;
	v5 =	vld [tilespmem:s10+$0x7130]  }
.LBB2_11:
0x12f: {  	p0 =	sne.s32 s13, $0xF800  }
0x130: {  	s30 =	sadd.s32 $0x80, s30;
	s4 =	smov.u32 s13;
	s13 =	sadd.s32 $0x800, s13  }
0x131: {  	v3 =	vadd.f32 v4, v3;
	_ =	sdelay $0x1  }
0x132: {  	v3 =	vadd.f32 v5, v3;
	_ =	sdelay $0x1  }
0x133: {  	v4 =	vld [tilespmem:s10+$0x30B0];
	v2 =	vadd.f32 v2, v3  }
0x134: {  	v3 =	vld [tilespmem:s10+$0x3030]  }
0x135: {  	(erf) = vrcp.f32 v2  }
0x136: {  	s14 =	sshra.s32 s4, $0x2;
	v2 =	vld [tilespmem:s10+$0x3130];
	_ =	sdelay $0x1  }
0x137: {  	v5 =	vld [tilespmem:s10+$0x31B0]  }
0x138: {  	v3 =	vadd.f32 v4, v3;
	_ =	sdelay $0x1  }
0x139: {  	v2 =	vadd.f32 v2, v3;
	_ =	sdelay $0x1  }
0x13a: {  	v2 =	vadd.f32 v5, v2  }
0x13b: {  	v3 =	vpop (erf)  }
0x13c: {  	v2 =	vmul.f32 v3, v2;
	_ =	sdelay $0x1  }
0x13d: {  	[tilespmem:s26+$0xFFFFFFF0] =	vst v2  }
0x13e: {  	v2 =	vld [tilespmem:s10+$0x7040]  }
0x13f: {  	v3 =	vld [tilespmem:s10+$0x70C0]  }
0x140: {  	v4 =	vld [tilespmem:s10+$0x3040]  }
0x141: {  	v5 =	vld [tilespmem:s10+$0x7140]  }
0x142: {  	v6 =	vld [tilespmem:s10+$0x30C0]  }
0x143: {  	v7 =	vld [tilespmem:s10+$0x71C0]  }
0x144: {  	v2 =	vadd.f32 v3, v2;
	_ =	sdelay $0x1  }
0x145: {  	v2 =	vadd.f32 v5, v2  }
0x146: {  	v3 =	vadd.f32 v6, v4  }
0x147: {  	v2 =	vadd.f32 v7, v2;
	_ =	sdelay $0x1  }
0x148: {  	(erf) = vrcp.f32 v2  }
0x149: {  	v2 =	vld [tilespmem:s10+$0x3140];
	_ =	sdelay $0x1  }
0x14a: {  	v4 =	vld [tilespmem:s10+$0x31C0];
	_ =	sdelay $0x2  }
0x14b: {  	v2 =	vadd.f32 v2, v3;
	_ =	sdelay $0x1  }
0x14c: {  	v2 =	vadd.f32 v4, v2  }
0x14d: {  	v3 =	vpop (erf)  }
0x14e: {  	v2 =	vmul.f32 v3, v2;
	_ =	sdelay $0x1  }
0x14f: {  	[tilespmem:s26+$0x0] =	vst v2  }
0x150: {  	v2 =	vld [tilespmem:s10+$0x7050]  }
0x151: {  	v3 =	vld [tilespmem:s10+$0x70D0]  }
0x152: {  	v4 =	vld [tilespmem:s10+$0x7150]  }
0x153: {  	v5 =	vld [tilespmem:s10+$0x71D0]  }
0x154: {  	v6 =	vld [tilespmem:s10+$0x3050]  }
0x155: {  	v7 =	vld [tilespmem:s10+$0x30D0]  }
0x156: {  	v8 =	vld [tilespmem:s10+$0x3150];
	v2 =	vadd.f32 v3, v2  }
0x157: {  	v3 =	vld [tilespmem:s10+$0x31D0]  }
0x158: {  	v2 =	vadd.f32 v4, v2;
	_ =	sdelay $0x1  }
0x159: {  	v4 =	vadd.f32 v7, v6;
	v2 =	vadd.f32 v5, v2;
	_ =	sdelay $0x1  }
0x15a: {  	(erf) = vrcp.f32 v2;
	_ =	sdelay $0x5  }
0x15b: {  	v2 =	vadd.f32 v8, v4;
	_ =	sdelay $0x1  }
0x15c: {  	v2 =	vadd.f32 v3, v2  }
0x15d: {  	v3 =	vpop (erf)  }
0x15e: {  	v2 =	vmul.f32 v3, v2;
	_ =	sdelay $0x1  }
0x15f: {  	[tilespmem:s26+$0x10] =	vst v2  }
0x160: {  	v2 =	vld [tilespmem:s10+$0x70E0]  }
0x161: {  	v3 =	vld [tilespmem:s10+$0x7060]  }
0x162: {  	v4 =	vld [tilespmem:s10+$0x7160]  }
0x163: {  	v5 =	vld [tilespmem:s10+$0x71E0]  }
0x164: {  	v6 =	vld [tilespmem:s10+$0x3060]  }
0x165: {  	v7 =	vld [tilespmem:s10+$0x30E0]  }
0x166: {  	v8 =	vld [tilespmem:s10+$0x3160];
	v2 =	vadd.f32 v2, v3  }
0x167: {  	v3 =	vld [tilespmem:s10+$0x31E0]  }
0x168: {  	v2 =	vadd.f32 v4, v2;
	_ =	sdelay $0x1  }
0x169: {  	v4 =	vadd.f32 v7, v6;
	v2 =	vadd.f32 v5, v2;
	_ =	sdelay $0x1  }
0x16a: {  	v4 =	vadd.f32 v8, v4;
	(erf) = vrcp.f32 v2;
	_ =	sdelay $0x7  }
0x16b: {  	v2 =	vadd.f32 v3, v4  }
0x16c: {  	v3 =	vpop (erf)  }
0x16d: {  	v2 =	vmul.f32 v3, v2;
	_ =	sdelay $0x1  }
0x16e: {  	[tilespmem:s26+$0x20] =	vst v2  }
0x16f: {  	v2 =	vld [tilespmem:s10+$0x7070]  }
0x170: {  	v3 =	vld [tilespmem:s10+$0x70F0]  }
0x171: {  	v4 =	vld [tilespmem:s10+$0x7170]  }
0x172: {  	v5 =	vld [tilespmem:s10+$0x71F0]  }
0x173: {  	v6 =	vld [tilespmem:s10+$0x3070]  }
0x174: {  	v7 =	vld [tilespmem:s10+$0x30F0]  }
0x175: {  	v8 =	vld [tilespmem:s10+$0x3170];
	v2 =	vadd.f32 v3, v2  }
0x176: {  	v3 =	vld [tilespmem:s10+$0x31F0];
	s10 =	smov.u32 s14  }
0x177: {  	v2 =	vadd.f32 v4, v2;
	_ =	sdelay $0x1  }
0x178: {  	v4 =	vadd.f32 v7, v6;
	v2 =	vadd.f32 v5, v2;
	_ =	sdelay $0x1  }
0x179: {  	(erf) = vrcp.f32 v2;
	_ =	sdelay $0x5  }
0x17a: {  	v2 =	vadd.f32 v8, v4;
	_ =	sdelay $0x1  }
0x17b: {  	v2 =	vadd.f32 v3, v2  }
0x17c: {  	v3 =	vpop (erf)  }
0x17d: {  	v2 =	vmul.f32 v3, v2;
	_ =	sdelay $0x1  }
0x17e: {  	[tilespmem:s26+$0x30] =	vst v2;
	s26 =	smov.u32 s30  }
0x17f: {  	v2 =	vld [tilespmem:s10+$0x7000]  }
0x180: {  	v3 =	vld [tilespmem:s10+$0x7080]  }
0x181: {  	v4 =	vld [tilespmem:s10+$0x7100]  }
0x182: {  	v5 =	vld [tilespmem:s10+$0x7180]  }
0x183: {  	v6 =	vld [tilespmem:s10+$0x3080]  }
0x184: {  	v7 =	vld [tilespmem:s10+$0x3000]  }
0x185: {  	v2 =	vadd.f32 v3, v2  }
0x186: {  	v3 =	vld [tilespmem:s10+$0x3100]  }
0x187: {  	v2 =	vadd.f32 v4, v2;
	_ =	sdelay $0x1  }
0x188: {  	v4 =	vadd.f32 v6, v7;
	v2 =	vadd.f32 v5, v2;
	_ =	sdelay $0x1  }
0x189: {  	v3 =	vadd.f32 v3, v4;
	(erf) = vrcp.f32 v2;
	_ =	sdelay $0x2  }
0x18a: {  	v2 =	vld [tilespmem:s10+$0x3180];
	_ =	sdelay $0x4  }
0x18b: {  	v2 =	vadd.f32 v2, v3  }
0x18c: {  	v3 =	vpop (erf)  }
0x18d: {  	v2 =	vmul.f32 v3, v2;
	_ =	sdelay $0x1  }
0x18e: {  	[tilespmem:s30+$0xFFFFFFC0] =	vst v2  }
0x18f: {  	v2 =	vld [tilespmem:s10+$0x7010]  }
0x190: {  	v3 =	vld [tilespmem:s10+$0x7090];
	_ =	sdelay $0x1  }
0x191: {  	v4 =	vld [tilespmem:s10+$0x7110];
	_ =	sdelay $0x1  }
0x192: {  	v5 =	vld [tilespmem:s10+$0x7190]  }
0x193: {  	v2 =	vadd.f32 v3, v2;
	_ =	sdelay $0x1  }
0x194: {  	v2 =	vadd.f32 v4, v2;
	_ =	sdelay $0x1  }
0x195: {  	v3 =	vld [tilespmem:s10+$0x3090];
	v2 =	vadd.f32 v5, v2  }
0x196: {  	v4 =	vld [tilespmem:s10+$0x3010]  }
0x197: {  	(erf) = vrcp.f32 v2  }
0x198: {  	v2 =	vld [tilespmem:s10+$0x3110];
	_ =	sdelay $0x1  }
0x199: {  	v5 =	vld [tilespmem:s10+$0x3190]  }
0x19a: {  	v3 =	vadd.f32 v3, v4;
	_ =	sdelay $0x1  }
0x19b: {  	v2 =	vadd.f32 v2, v3;
	_ =	sdelay $0x1  }
0x19c: {  	v2 =	vadd.f32 v5, v2  }
0x19d: {  	v3 =	vpop (erf)  }
0x19e: {  	v2 =	vmul.f32 v3, v2;
	_ =	sdelay $0x1  }
0x19f: {  	[tilespmem:s30+$0xFFFFFFD0] =	vst v2  }
0x1a0: {  	v2 =	vld [tilespmem:s10+$0x7020]  }
0x1a1: {  	v3 =	vld [tilespmem:s10+$0x70A0];
	_ =	sdelay $0x1  }
0x1a2: {  	v4 =	vld [tilespmem:s10+$0x7120];
	_ =	sdelay $0x1  }
0x1a3: {  	v5 =	vld [tilespmem:s10+$0x71A0]  }
0x1a4: {  	v2 =	vadd.f32 v3, v2;
	_ =	sdelay $0x1  }
0x1a5: {  	v2 =	vadd.f32 v4, v2;
	_ =	sdelay $0x1  }
0x1a6: {  	v3 =	vld [tilespmem:s10+$0x30A0];
	v2 =	vadd.f32 v5, v2  }
0x1a7: {  	v4 =	vld [tilespmem:s10+$0x3020]  }
0x1a8: {  	(erf) = vrcp.f32 v2  }
0x1a9: {  	v2 =	vld [tilespmem:s10+$0x3120];
	_ =	sdelay $0x1  }
0x1aa: {  	v5 =	vld [tilespmem:s10+$0x31A0]  }
0x1ab: {  	v3 =	vadd.f32 v3, v4;
	_ =	sdelay $0x1  }
0x1ac: {  	v2 =	vadd.f32 v2, v3;
	_ =	sdelay $0x1  }
0x1ad: {  	v2 =	vadd.f32 v5, v2  }
0x1ae: {  	v3 =	vpop (erf)  }
0x1af: {  	v2 =	vmul.f32 v3, v2;
	_ =	sdelay $0x1  }
.Ltmp7:
0x1b0: {  	[tilespmem:s30+$0xFFFFFFE0] =	vst v2;
	(pc) =	sbr.rel @p0 .LBB2_11-.Ltmp7, $4  }
0x1b1: {  	v3 =	vld [tilespmem:s10+$0x7030]  }
0x1b2: {  	v4 =	vld [tilespmem:s10+$0x70B0]  }
0x1b3: {  	v2 =	vld [tilespmem:s10+$0x71B0]  }
0x1b4: {  	v5 =	vld [tilespmem:s10+$0x7130]  }
0x1b5: {  	_ =	sdelay $0x1  }
0x1b6: {  	v3 =	vadd.f32 v4, v3;
	_ =	sdelay $0x1  }
0x1b7: {  	v3 =	vadd.f32 v5, v3;
	_ =	sdelay $0x1  }
0x1b8: {  	v46 =	vld [tilespmem:s10+$0x30B0];
	v2 =	vadd.f32 v2, v3  }
0x1b9: {  	v3 =	vld [tilespmem:s10+$0x3030]  }
0x1ba: {  	(erf) = vrcp.f32 v2  }
0x1bb: {  	v2 =	vld [tilespmem:s10+$0x3130];
	_ =	sdelay $0x1  }
0x1bc: {  	v47 =	vld [tilespmem:s10+$0x31B0]  }
0x1bd: {  	v3 =	vadd.f32 v46, v3;
	_ =	sdelay $0x1  }
0x1be: {  	v2 =	vadd.f32 v2, v3;
	_ =	sdelay $0x1  }
0x1bf: {  	v2 =	vadd.f32 v47, v2  }
0x1c0: {  	v3 =	vpop (erf)  }
0x1c1: {  	v2 =	vmul.f32 v3, v2;
	_ =	sdelay $0x1  }
0x1c2: {  	[tilespmem:s26+$0xFFFFFFF0] =	vst v2  }
0x1c3: {  	v2 =	vld [tilespmem:s10+$0x7040]  }
0x1c4: {  	v3 =	vld [tilespmem:s10+$0x70C0];
	_ =	sdelay $0x1  }
0x1c5: {  	v48 =	vld [tilespmem:s10+$0x7140];
	_ =	sdelay $0x1  }
0x1c6: {  	v49 =	vld [tilespmem:s10+$0x71C0]  }
0x1c7: {  	v2 =	vadd.f32 v3, v2;
	_ =	sdelay $0x1  }
0x1c8: {  	v2 =	vadd.f32 v48, v2;
	_ =	sdelay $0x1  }
0x1c9: {  	v50 =	vld [tilespmem:s10+$0x30C0];
	v2 =	vadd.f32 v49, v2  }
0x1ca: {  	v3 =	vld [tilespmem:s10+$0x3040]  }
0x1cb: {  	(erf) = vrcp.f32 v2  }
0x1cc: {  	v2 =	vld [tilespmem:s10+$0x3140];
	_ =	sdelay $0x1  }
0x1cd: {  	v51 =	vld [tilespmem:s10+$0x31C0]  }
0x1ce: {  	v3 =	vadd.f32 v50, v3;
	_ =	sdelay $0x1  }
0x1cf: {  	v2 =	vadd.f32 v2, v3;
	_ =	sdelay $0x1  }
0x1d0: {  	v2 =	vadd.f32 v51, v2  }
0x1d1: {  	v3 =	vpop (erf)  }
0x1d2: {  	v2 =	vmul.f32 v3, v2;
	_ =	sdelay $0x1  }
0x1d3: {  	[tilespmem:s26+$0x0] =	vst v2  }
0x1d4: {  	v2 =	vld [tilespmem:s10+$0x7050]  }
0x1d5: {  	v3 =	vld [tilespmem:s10+$0x70D0];
	_ =	sdelay $0x1  }
0x1d6: {  	v52 =	vld [tilespmem:s10+$0x7150];
	_ =	sdelay $0x1  }
0x1d7: {  	v53 =	vld [tilespmem:s10+$0x71D0]  }
0x1d8: {  	v2 =	vadd.f32 v3, v2;
	_ =	sdelay $0x1  }
0x1d9: {  	v2 =	vadd.f32 v52, v2;
	_ =	sdelay $0x1  }
0x1da: {  	v54 =	vld [tilespmem:s10+$0x30D0];
	v2 =	vadd.f32 v53, v2  }
0x1db: {  	v3 =	vld [tilespmem:s10+$0x3050]  }
0x1dc: {  	(erf) = vrcp.f32 v2  }
0x1dd: {  	v2 =	vld [tilespmem:s10+$0x3150];
	_ =	sdelay $0x1  }
0x1de: {  	v55 =	vld [tilespmem:s10+$0x31D0]  }
0x1df: {  	v3 =	vadd.f32 v54, v3;
	_ =	sdelay $0x1  }
0x1e0: {  	v2 =	vadd.f32 v2, v3;
	_ =	sdelay $0x1  }
0x1e1: {  	v2 =	vadd.f32 v55, v2  }
0x1e2: {  	v3 =	vpop (erf)  }
0x1e3: {  	v2 =	vmul.f32 v3, v2;
	_ =	sdelay $0x1  }
0x1e4: {  	[tilespmem:s26+$0x10] =	vst v2  }
0x1e5: {  	v2 =	vld [tilespmem:s10+$0x70E0]  }
0x1e6: {  	v3 =	vld [tilespmem:s10+$0x7060];
	_ =	sdelay $0x1  }
0x1e7: {  	v56 =	vld [tilespmem:s10+$0x7160];
	_ =	sdelay $0x1  }
0x1e8: {  	v57 =	vld [tilespmem:s10+$0x71E0]  }
0x1e9: {  	v2 =	vadd.f32 v2, v3;
	_ =	sdelay $0x1  }
0x1ea: {  	v2 =	vadd.f32 v56, v2;
	_ =	sdelay $0x1  }
0x1eb: {  	v58 =	vld [tilespmem:s10+$0x30E0];
	v2 =	vadd.f32 v57, v2  }
0x1ec: {  	v3 =	vld [tilespmem:s10+$0x3060]  }
0x1ed: {  	(erf) = vrcp.f32 v2  }
0x1ee: {  	v2 =	vld [tilespmem:s10+$0x3160];
	_ =	sdelay $0x1  }
0x1ef: {  	v59 =	vld [tilespmem:s10+$0x31E0]  }
0x1f0: {  	v3 =	vadd.f32 v58, v3;
	_ =	sdelay $0x1  }
0x1f1: {  	v2 =	vadd.f32 v2, v3;
	_ =	sdelay $0x1  }
0x1f2: {  	v2 =	vadd.f32 v59, v2  }
0x1f3: {  	v3 =	vpop (erf)  }
0x1f4: {  	v2 =	vmul.f32 v3, v2;
	_ =	sdelay $0x1  }
0x1f5: {  	[tilespmem:s26+$0x20] =	vst v2  }
0x1f6: {  	v2 =	vld [tilespmem:s10+$0x7070]  }
0x1f7: {  	v3 =	vld [tilespmem:s10+$0x70F0];
	_ =	sdelay $0x1  }
0x1f8: {  	v60 =	vld [tilespmem:s10+$0x7170];
	_ =	sdelay $0x1  }
0x1f9: {  	v61 =	vld [tilespmem:s10+$0x71F0]  }
0x1fa: {  	v2 =	vadd.f32 v3, v2;
	_ =	sdelay $0x1  }
0x1fb: {  	v2 =	vadd.f32 v60, v2;
	_ =	sdelay $0x1  }
0x1fc: {  	v62 =	vld [tilespmem:s10+$0x30F0];
	v2 =	vadd.f32 v61, v2  }
0x1fd: {  	v3 =	vld [tilespmem:s10+$0x3070]  }
0x1fe: {  	(erf) = vrcp.f32 v2  }
0x1ff: {  	v2 =	vld [tilespmem:s10+$0x3170];
	_ =	sdelay $0x1  }
0x200: {  	v63 =	vld [tilespmem:s10+$0x31F0]  }
0x201: {  	v3 =	vadd.f32 v62, v3;
	_ =	sdelay $0x1  }
0x202: {  	v2 =	vadd.f32 v2, v3;
	_ =	sdelay $0x1  }
0x203: {  	v2 =	vadd.f32 v63, v2  }
0x204: {  	v3 =	vpop (erf)  }
0x205: {  	v2 =	vmul.f32 v3, v2;
	_ =	sdelay $0x1  }
0x206: {  	s10 =	simm.s32 $0x0;
	[tilespmem:s26+$0x30] =	vst v2  }
0x207: {  	[tilespmem:s19], [sflag:$0x1] =	stream.linear.gather [hbm4b:s7+s10], $0x4000, $0x38;
	[tilespmem:$0x1D000] =	vst v63  }
0x208: {  	s13 =	simm.s32 $0x0  }
0x209: {  	[tilespmem:s21], [sflag:$0x2] =	stream.linear.gather [hbm4b:s9+s10], $0x4000, $0x38;
	[tilespmem:$0x1D000] =	vst v63  }
.LBB2_13:
0x20a: {  	_ =	swait.ge [sflag:s23], $0x4000  }
0x20b: {  	p0 =	seq.s32 s13, $0x0;
	s14 =	simm.s32 $0x0;
	[sflag:s23] =	ssyncset.done $0x0  }
0x20c: {  	s15 =	sand.u32 $0xC00, s10;
	s4 =	simm.s32 @!p0 $0x3;
	[sflag:s23] =	ssyncadd.s32 $0xFFFFC000  }
0x20d: {  	s16 =	simm.s32 $0x0;
	s14 =	sand.u32 $0x3000, s14;
	_ =	swait.ge @!p0 [sflag:s4], $0x4000  }
0x20e: {  	s16 =	sand.u32 $0x380, s16;
	s14 =	sor.u32 s15, s14;
	[sflag:s4] =	ssyncset.done @!p0 $0x0  }
0x20f: {  	s14 =	sor.u32 s16, s14;
	[sflag:s4] =	ssyncadd.s32 @!p0 $0xFFFFC000  }
0x210: {  	v2 =	vld [tilespmem:s14+$0xB000]  }
0x211: {  	v4 =	vld [tilespmem:s14+$0xB070]  }
0x212: {  	v5 =	vld [tilespmem:s14+$0xB010]  }
0x213: {  	v9 =	vld [tilespmem:s14+$0xB020]  }
0x214: {  	v10 =	vld [tilespmem:s14+$0xB030]  }
0x215: {  	v11 =	vld [tilespmem:s14+$0xB040]  }
0x216: {  	v7 =	vld [tilespmem:s14+$0xB050]  }
0x217: {  	v6 =	vld [tilespmem:s14+$0xB060]  }
0x218: {  	v3 =	vld.idx.msk [tilespmem:v2+s1+$0x0], $0xffff  }
0x219: {  	v8 =	vld.idx.msk [tilespmem:v4+s1+$0x0], $0xffff  }
0x21a: {  	v4 =	vld.idx.msk [tilespmem:v5+s1+$0x0], $0xffff  }
0x21b: {  	s18 =	simm.s32 $0x80;
	v2 =	vld.idx.msk [tilespmem:v9+s1+$0x0], $0xffff  }
0x21c: {  	s30 =	simm.s32 $0x400;
	s26 =	sshll.u32 s13, $0xF;
	s18 =	sand.u32 $0x3000, s18;
	v5 =	vld.idx.msk [tilespmem:v10+s1+$0x0], $0xffff  }
0x21d: {  	s15 =	simm.s32 $0x2;
	s16 =	sand.u32 $0xC00, s30;
	s4 =	simm.s32 $0x20;
	v9 =	vld.idx.msk [tilespmem:v11+s1+$0x0], $0xffff  }
.LBB2_14:
0x21e: {  	p1 =	sne.s32 s15, $0x7F;
	s16 =	sor.u32 s16, s18;
	s4 =	sand.u32 $0x380, s4;
	v7 =	vld.idx.msk [tilespmem:v7+s1+$0x0], $0xffff  }
0x21f: {  	s4 =	sor.u32 s4, s16;
	v6 =	vld.idx.msk [tilespmem:v6+s1+$0x0], $0xffff;
	[tilespmem:s14+$0x13070] =	vst v8  }
0x220: {  	v8 =	vld [tilespmem:s4+$0xB000];
	[tilespmem:s14+$0x13000] =	vst v3  }
0x221: {  	v10 =	vld [tilespmem:s4+$0xB070];
	[tilespmem:s14+$0x13010] =	vst v4  }
0x222: {  	v4 =	vld [tilespmem:s4+$0xB010];
	[tilespmem:s14+$0x13020] =	vst v2  }
0x223: {  	v2 =	vld [tilespmem:s4+$0xB020];
	[tilespmem:s14+$0x13030] =	vst v5  }
0x224: {  	v5 =	vld [tilespmem:s4+$0xB030];
	[tilespmem:s14+$0x13040] =	vst v9  }
0x225: {  	v9 =	vld [tilespmem:s4+$0xB040];
	[tilespmem:s14+$0x13050] =	vst v7  }
0x226: {  	v7 =	vld [tilespmem:s4+$0xB050];
	[tilespmem:s14+$0x13060] =	vst v6;
	s14 =	smov.u32 s4  }
0x227: {  	v6 =	vld [tilespmem:s14+$0xB060]  }
0x228: {  	v3 =	vld.idx.msk [tilespmem:v8+s1+$0x0], $0xffff  }
.Ltmp8:
0x229: {  	v8 =	vld.idx.msk [tilespmem:v10+s1+$0x0], $0xffff;
	(pc) =	sbr.rel @p1 .LBB2_14-.Ltmp8, $4  }
0x22a: {  	v4 =	vld.idx.msk [tilespmem:v4+s1+$0x0], $0xffff  }
0x22b: {  	s30 =	sadd.s32 $0x400, s30;
	v2 =	vld.idx.msk [tilespmem:v2+s1+$0x0], $0xffff  }
0x22c: {  	s16 =	sand.u32 $0xC00, s30;
	s4 =	sshll.u32 s15, $0x7;
	v5 =	vld.idx.msk [tilespmem:v5+s1+$0x0], $0xffff  }
0x22d: {  	s18 =	sand.u32 $0x3000, s4;
	s4 =	sshll.u32 s15, $0x5;
	s15 =	sadd.s32 $0x1, s15;
	v9 =	vld.idx.msk [tilespmem:v9+s1+$0x0], $0xffff  }
0x22e: {  	_ =	sdelay $0x3  }
0x22f: {  	v7 =	vld.idx.msk [tilespmem:v7+s1+$0x0], $0xffff;
	s15 =	sor.u32 s16, s18;
	s4 =	sand.u32 $0x380, s4  }
0x230: {  	v6 =	vld.idx.msk [tilespmem:v6+s1+$0x0], $0xffff;
	[tilespmem:s14+$0x13070] =	vst v8;
	s4 =	sor.u32 s4, s15  }
0x231: {  	v8 =	vld [tilespmem:s4+$0xB000];
	[tilespmem:s14+$0x13000] =	vst v3  }
0x232: {  	v3 =	vld [tilespmem:s4+$0xB070];
	[tilespmem:s14+$0x13010] =	vst v4  }
0x233: {  	v4 =	vld [tilespmem:s4+$0xB010];
	[tilespmem:s14+$0x13020] =	vst v2  }
0x234: {  	v2 =	vld [tilespmem:s4+$0xB020];
	[tilespmem:s14+$0x13030] =	vst v5  }
0x235: {  	v5 =	vld [tilespmem:s4+$0xB030];
	[tilespmem:s14+$0x13040] =	vst v9  }
0x236: {  	v9 =	vld [tilespmem:s4+$0xB040];
	[tilespmem:s14+$0x13050] =	vst v7  }
0x237: {  	v7 =	vld [tilespmem:s4+$0xB050];
	[tilespmem:s14+$0x13060] =	vst v6  }
0x238: {  	v6 =	vld [tilespmem:s4+$0xB060]  }
0x239: {  	v8 =	vld.idx.msk [tilespmem:v8+s1+$0x0], $0xffff  }
0x23a: {  	v3 =	vld.idx.msk [tilespmem:v3+s1+$0x0], $0xffff  }
0x23b: {  	v4 =	vld.idx.msk [tilespmem:v4+s1+$0x0], $0xffff  }
0x23c: {  	v2 =	vld.idx.msk [tilespmem:v2+s1+$0x0], $0xffff  }
0x23d: {  	v5 =	vld.idx.msk [tilespmem:v5+s1+$0x0], $0xffff  }
0x23e: {  	v9 =	vld.idx.msk [tilespmem:v9+s1+$0x0], $0xffff  }
0x23f: {  	v7 =	vld.idx.msk [tilespmem:v7+s1+$0x0], $0xffff  }
0x240: {  	v6 =	vld.idx.msk [tilespmem:v6+s1+$0x0], $0xffff;
	[tilespmem:s4+$0x13070] =	vst v3  }
0x241: {  	[tilespmem:s4+$0x13000] =	vst v8  }
0x242: {  	[tilespmem:s4+$0x13010] =	vst v4  }
0x243: {  	p1 =	sne.s32 s13, $0x7;
	[tilespmem:s4+$0x13020] =	vst v2  }
.Ltmp9:
0x244: {  	[tilespmem:s4+$0x13030] =	vst v5;
	(pc) =	sbr.rel @p1 .LBB2_17-.Ltmp9, $4  }
0x245: {  	s18 =	sor.u32 s26, s6;
	[tilespmem:s4+$0x13040] =	vst v9  }
0x246: {  	s14 =	sshrl.u32 s18, $0x3;
	[tilespmem:s4+$0x13050] =	vst v7  }
0x247: {  	s30 =	sadd.s32 s3, s14;
	[tilespmem:s4+$0x13060] =	vst v6  }
0x248: {  	[hbm4b:s30+s5] =	stream.linear.scatter [tilespmem:s20], [sflag:$0x3], $0x4000, $0x38;
	[tilespmem:$0x1D000] =	vst v63  }
.Ltmp10:
0x249: {  	(pc) =	sbr.rel .LBB2_18-.Ltmp10, $4  }
0x24a: {  	_ = 	snop  }
0x24b: {  	_ =	swait.ge [sflag:s25], $0x4000  }
0x24c: {  	[sflag:s25] =	ssyncset.done $0x0  }
0x24d: {  	[sflag:s25] =	ssyncadd.s32 $0xFFFFC000  }
.LBB2_17:
0x24e: {  	s4 =	sadd.s32 s26, s11  }
0x24f: {  	s4 =	sshrl.u32 s4, $0x3  }
.Ltmp11:
0x250: {  	s4 =	sadd.s32 s2, s4;
	(pc) =	sbr.rel @p0 .LBB2_19-.Ltmp11, $4  }
0x251: {  	[tilespmem:s19], [sflag:$0x1] =	stream.linear.gather [hbm4b:s4+s5], $0x4000, $0x38;
	[tilespmem:$0x1D000] =	vst v63  }
0x252: {  	_ =	swait.ge [sflag:s25], $0x4000  }
0x253: {  	[sflag:s25] =	ssyncset.done $0x0  }
0x254: {  	[sflag:s25] =	ssyncadd.s32 $0xFFFFC000  }
.LBB2_18:
0x255: {  	_ =	swait.ge [sflag:s31], $0x4000  }
0x256: {  	[sflag:s31] =	ssyncset.done $0x0  }
0x257: {  	[sflag:s31] =	ssyncadd.s32 $0xFFFFC000  }
.LBB2_19:
0x258: {  	s4 =	simm.s32 $0x0;
	s14 =	simm.s32 $0x0  }
0x259: {  	s15 =	simm.s32 $0x0;
	s4 =	sand.u32 $0xC00, s4;
	s14 =	sand.u32 $0x3000, s14  }
0x25a: {  	s16 =	sand.u32 $0x380, s15;
	s4 =	sor.u32 s4, s14  }
0x25b: {  	s14 =	sor.u32 s16, s4  }
0x25c: {  	v2 =	vld [tilespmem:s14+$0xF000]  }
0x25d: {  	v4 =	vld [tilespmem:s14+$0xF070]  }
0x25e: {  	v5 =	vld [tilespmem:s14+$0xF010]  }
0x25f: {  	v8 =	vld [tilespmem:s14+$0xF020]  }
0x260: {  	v10 =	vld [tilespmem:s14+$0xF030]  }
0x261: {  	v11 =	vld [tilespmem:s14+$0xF040]  }
0x262: {  	v7 =	vld [tilespmem:s14+$0xF050]  }
0x263: {  	v6 =	vld [tilespmem:s14+$0xF060]  }
0x264: {  	v3 =	vld.idx.msk [tilespmem:v2+s1+$0x0], $0xffff  }
0x265: {  	v9 =	vld.idx.msk [tilespmem:v4+s1+$0x0], $0xffff  }
0x266: {  	v4 =	vld.idx.msk [tilespmem:v5+s1+$0x0], $0xffff  }
0x267: {  	v2 =	vld.idx.msk [tilespmem:v8+s1+$0x0], $0xffff  }
0x268: {  	s30 =	simm.s32 $0x400;
	s18 =	simm.s32 $0x80;
	s15 =	simm.s32 $0x2;
	v5 =	vld.idx.msk [tilespmem:v10+s1+$0x0], $0xffff  }
0x269: {  	s16 =	sand.u32 $0xC00, s30;
	s4 =	sand.u32 $0x3000, s18;
	s18 =	simm.s32 $0x20;
	v8 =	vld.idx.msk [tilespmem:v11+s1+$0x0], $0xffff  }
.LBB2_20:
0x26a: {  	p0 =	sne.s32 s15, $0x7F;
	s4 =	sor.u32 s16, s4;
	s16 =	sand.u32 $0x380, s18;
	v7 =	vld.idx.msk [tilespmem:v7+s1+$0x0], $0xffff  }
0x26b: {  	s4 =	sor.u32 s16, s4;
	v6 =	vld.idx.msk [tilespmem:v6+s1+$0x0], $0xffff;
	[tilespmem:s14+$0x17070] =	vst v9  }
0x26c: {  	v9 =	vld [tilespmem:s4+$0xF000];
	[tilespmem:s14+$0x17000] =	vst v3  }
0x26d: {  	v10 =	vld [tilespmem:s4+$0xF070];
	[tilespmem:s14+$0x17010] =	vst v4  }
0x26e: {  	v4 =	vld [tilespmem:s4+$0xF010];
	[tilespmem:s14+$0x17020] =	vst v2  }
0x26f: {  	v2 =	vld [tilespmem:s4+$0xF020];
	[tilespmem:s14+$0x17030] =	vst v5  }
0x270: {  	v5 =	vld [tilespmem:s4+$0xF030];
	[tilespmem:s14+$0x17040] =	vst v8  }
0x271: {  	v8 =	vld [tilespmem:s4+$0xF040];
	[tilespmem:s14+$0x17050] =	vst v7  }
0x272: {  	v7 =	vld [tilespmem:s4+$0xF050];
	[tilespmem:s14+$0x17060] =	vst v6;
	s14 =	smov.u32 s4  }
0x273: {  	v6 =	vld [tilespmem:s14+$0xF060]  }
0x274: {  	v3 =	vld.idx.msk [tilespmem:v9+s1+$0x0], $0xffff  }
.Ltmp12:
0x275: {  	v9 =	vld.idx.msk [tilespmem:v10+s1+$0x0], $0xffff;
	(pc) =	sbr.rel @p0 .LBB2_20-.Ltmp12, $4  }
0x276: {  	v4 =	vld.idx.msk [tilespmem:v4+s1+$0x0], $0xffff  }
0x277: {  	s30 =	sadd.s32 $0x400, s30;
	v2 =	vld.idx.msk [tilespmem:v2+s1+$0x0], $0xffff  }
0x278: {  	s16 =	sand.u32 $0xC00, s30;
	s4 =	sshll.u32 s15, $0x7;
	v5 =	vld.idx.msk [tilespmem:v5+s1+$0x0], $0xffff  }
0x279: {  	s18 =	sshll.u32 s15, $0x5;
	s15 =	sadd.s32 $0x1, s15;
	s4 =	sand.u32 $0x3000, s4;
	v8 =	vld.idx.msk [tilespmem:v8+s1+$0x0], $0xffff  }
0x27a: {  	_ =	sdelay $0x3  }
0x27b: {  	v7 =	vld.idx.msk [tilespmem:v7+s1+$0x0], $0xffff;
	s4 =	sor.u32 s16, s4;
	s15 =	sand.u32 $0x380, s18  }
0x27c: {  	v6 =	vld.idx.msk [tilespmem:v6+s1+$0x0], $0xffff;
	[tilespmem:s14+$0x17070] =	vst v9;
	s4 =	sor.u32 s15, s4  }
0x27d: {  	v9 =	vld [tilespmem:s4+$0xF000];
	[tilespmem:s14+$0x17000] =	vst v3  }
0x27e: {  	v3 =	vld [tilespmem:s4+$0xF070];
	[tilespmem:s14+$0x17010] =	vst v4  }
0x27f: {  	v4 =	vld [tilespmem:s4+$0xF010];
	[tilespmem:s14+$0x17020] =	vst v2  }
0x280: {  	v2 =	vld [tilespmem:s4+$0xF020];
	[tilespmem:s14+$0x17030] =	vst v5  }
0x281: {  	v5 =	vld [tilespmem:s4+$0xF030];
	[tilespmem:s14+$0x17040] =	vst v8  }
0x282: {  	v8 =	vld [tilespmem:s4+$0xF040];
	[tilespmem:s14+$0x17050] =	vst v7  }
0x283: {  	v7 =	vld [tilespmem:s4+$0xF050];
	[tilespmem:s14+$0x17060] =	vst v6  }
0x284: {  	v6 =	vld [tilespmem:s4+$0xF060]  }
0x285: {  	v9 =	vld.idx.msk [tilespmem:v9+s1+$0x0], $0xffff  }
0x286: {  	v3 =	vld.idx.msk [tilespmem:v3+s1+$0x0], $0xffff  }
0x287: {  	v4 =	vld.idx.msk [tilespmem:v4+s1+$0x0], $0xffff  }
0x288: {  	v2 =	vld.idx.msk [tilespmem:v2+s1+$0x0], $0xffff  }
0x289: {  	v5 =	vld.idx.msk [tilespmem:v5+s1+$0x0], $0xffff  }
0x28a: {  	v8 =	vld.idx.msk [tilespmem:v8+s1+$0x0], $0xffff  }
0x28b: {  	v7 =	vld.idx.msk [tilespmem:v7+s1+$0x0], $0xffff  }
0x28c: {  	v6 =	vld.idx.msk [tilespmem:v6+s1+$0x0], $0xffff;
	[tilespmem:s4+$0x17070] =	vst v3  }
0x28d: {  	[tilespmem:s4+$0x17000] =	vst v9  }
0x28e: {  	[tilespmem:s4+$0x17010] =	vst v4  }
0x28f: {  	p0 =	seq.s32 s13, $0x7;
	[tilespmem:s4+$0x17020] =	vst v2  }
.Ltmp13:
0x290: {  	[tilespmem:s4+$0x17030] =	vst v5;
	(pc) =	sbr.rel @p0 .LBB2_23-.Ltmp13, $4  }
0x291: {  	s18 =	sadd.s32 s17, s26;
	[tilespmem:s4+$0x17040] =	vst v8  }
0x292: {  	s14 =	sshrl.u32 s18, $0x3;
	[tilespmem:s4+$0x17050] =	vst v7  }
0x293: {  	s30 =	sadd.s32 s3, s14;
	[tilespmem:s4+$0x17060] =	vst v6  }
0x294: {  	[hbm4b:s30+s5] =	stream.linear.scatter [tilespmem:s22], [sflag:$0x4], $0x4000, $0x38;
	[tilespmem:$0x1D000] =	vst v63  }
.Ltmp14:
0x295: {  	(pc) =	sbr.rel .LBB2_13-.Ltmp14, $4  }
0x296: {  	s4 =	sadd.s32 s26, s12  }
0x297: {  	s4 =	sshrl.u32 s4, $0x3  }
0x298: {  	s13 =	sadd.s32 $0x1, s13;
	s4 =	sadd.s32 s2, s4  }
0x299: {  	[tilespmem:s21], [sflag:$0x2] =	stream.linear.gather [hbm4b:s4+s5], $0x4000, $0x38;
	[tilespmem:$0x1D000] =	vst v63  }
.LBB2_24:
0x29a: {  	_ =	sfence.sel $0x180000  }
0x29b: {  	[bflag:$0x0] =	sbarrier.arrive $0xFFFF  }
0x29c: {  	_ =	strace $0x90000047  }
0x29d: {  	s0 =	stileid.u32;
	[bflag:$0x2] =	sbarrier.arrive $0xFFFF  }
0x29e: {  	p0 =	sne.s32 s0, $0x0;
	s0 =	rddreg [dreg:$0x5]  }
0x29f: {  	s0 =	sadd.s32 @!p0 $0x100000, s0  }
0x2a0: {  	[sflag:s0] =	ssyncadd.tile.s32 @!p0 $0x1;
	_ =	shalt  }
.Lfunc_end2:
_tile_overlayer_lowered:
.L_overlay_start_2:
0x2a1: {  	(tag) =	ssettag $0x2  }
0x2a2: {  	s0 =	rddreg [dreg:$0x0];
	s2 =	stileid.u32  }
0x2a3: {  	s1 =	rddreg [dreg:$0x1];
	p0 =	sne.s32 s2, $0x0  }
0x2a4: {  	s3 =	rddreg [dreg:$0x2];
	[bflag:$0x3] =	sbarrier.arrive $0xFFFF;
	s2 =	simm.s32 @!p0 $0x1C05  }
0x2a5: {  	[timem:s3], [sflag:s2] =	dma.local @!p0 [hbm:s0], s1  }
0x2a6: {  	s0 =	simm.s32 @!p0 $0x5  }
0x2a7: {  	_ =	swait.ge @!p0 [sflag:s0], s1  }
0x2a8: {  	s1 =	ssub.s32 @!p0 $0x0, s1;
	[sflag:s0] =	ssyncset.done @!p0 $0x0  }
0x2a9: {  	[sflag:s0] =	ssyncadd.s32 @!p0 s1  }
0x2aa: {  	[bflag:$0x3] =	sbarrier.arrive $0xFFFF  }
0x2ab: {  	_ =	shalt  }

</sc_bundles>
